<compile_context>
chip_gen: v7x
topology: tpu7x:2x2x1
jax: 0.10.2.dev20260603
libtpu: 0.0.44.dev20260713+nightly
codegen_flags: <defaults>
</compile_context>

<pallas_src>
import functools

import jax
import jax.numpy as jnp
from jax import lax
from jax.experimental import pallas as pl
from jax.experimental.pallas import tpu as pltpu
from jax.experimental.pallas import tpu_sc as plsc

NC = 2
NS = 16
NW = NC * NS
LANES = 16


def _largest_chunk(epw):
    for c in range(128, 7, -8):
        if epw % c == 0:
            return c
    return 8


def _round_up(v, m):
    return -(-v // m) * m


def _make_mask_deg_kernel(N, NCH, CH, NACC, STRIPE):
    KSUB = CH // LANES
    mesh = plsc.VectorSubcoreMesh(core_axis_name="c", subcore_axis_name="s",
                                  num_cores=NC, num_subcores=NS)

    @functools.partial(
        pl.kernel,
        out_type=[
            jax.ShapeDtypeStruct((NW, NCH, CH), jnp.int32),
            jax.ShapeDtypeStruct((NC, NACC, 16), jnp.float32),
        ],
        mesh=mesh,
        compiler_params=pltpu.CompilerParams(use_tc_tiling_on_sc=False),
        scratch_types=[
            pltpu.VMEM((NCH, CH), jnp.int32),
            pltpu.VMEM((NCH, CH), jnp.int32),
            pltpu.VMEM((NCH, CH), jnp.int32),
            pltpu.VMEM((NCH, CH), jnp.int32),
            pltpu.VMEM((CH, 16), jnp.float32),
            pltpu.SemaphoreType.DMA,
            pltpu.VMEM_SHARED((NACC, 16), jnp.float32),
        ],
    )
    def mask_deg(row2d, col2d, ones8, zeros8, mcol_out, degp_out,
                 rowb, colb, mrowb, mcolb, onesb, semz, acc):
        cid = lax.axis_index("c")
        sid = lax.axis_index("s")
        wid = sid * NC + cid
        s0 = sid * STRIPE
        SPREAD = ((NACC - N) // LANES) * LANES
        iota = lax.iota(jnp.int32, LANES)

        z = pltpu.async_copy(zeros8.at[pl.ds(s0, STRIPE)],
                             acc.at[pl.ds(s0, STRIPE)], semz)
        r = pltpu.async_copy(row2d.at[wid], rowb, semz)
        c = pltpu.async_copy(col2d.at[wid], colb, semz)
        o = pltpu.async_copy(ones8, onesb, semz)
        z.wait()
        r.wait()
        c.wait()
        o.wait()

        def mask_body(j, _):
            for k in range(KSUB):
                sl = pl.ds(k * LANES, LANES)
                r = rowb[j, sl]
                c = colb[j, sl]
                is_self = r == c
                if SPREAD >= LANES:
                    base = lax.rem((j * KSUB + k) * LANES, SPREAD)
                    pad = (N + base) + iota
                else:
                    pad = jnp.full((LANES,), N, jnp.int32)
                mrowb[j, sl] = jnp.where(is_self, pad, r)
                mcolb[j, sl] = jnp.where(is_self, pad, c)
            return 0

        lax.fori_loop(0, NCH, mask_body, 0)
        pltpu.sync_copy(mcolb, mcol_out.at[wid])
        plsc.subcore_barrier()

        def scat_body(j, _):
            pltpu.sync_copy(onesb, acc.at[mrowb.at[j]], add=True)
            return 0

        lax.fori_loop(0, NCH, scat_body, 0)
        plsc.subcore_barrier()
        pltpu.sync_copy(acc.at[pl.ds(s0, STRIPE)],
                        degp_out.at[cid, pl.ds(s0, STRIPE)])

    return mask_deg


def _make_propagate_kernel(N, NCH, CH, D, NACC, STRIPE):
    mesh = plsc.VectorSubcoreMesh(core_axis_name="c", subcore_axis_name="s",
                                  num_cores=NC, num_subcores=NS)

    @functools.partial(
        pl.kernel,
        out_type=jax.ShapeDtypeStruct((NC, NACC, D), jnp.float32),
        mesh=mesh,
        compiler_params=pltpu.CompilerParams(use_tc_tiling_on_sc=False),
        scratch_types=[
            pltpu.VMEM((NCH, CH), jnp.int32),
            pltpu.VMEM((NCH, CH), jnp.int32),
            pltpu.VMEM((CH, D), jnp.float32),
            pltpu.VMEM((CH, D), jnp.float32),
            pltpu.VMEM((CH, D), jnp.float32),
            pltpu.SemaphoreType.DMA,
            pltpu.SemaphoreType.DMA,
            pltpu.SemaphoreType.DMA,
            pltpu.SemaphoreType.DMA,
            pltpu.VMEM_SHARED((NACC, D), jnp.float32),
        ],
    )
    def propagate(hs_hbm, row2d, mcol2d, zerosd, part_out,
                  ridx, cidx, rows0, rows1, rows2, semg0, semg1, semg2, sems,
                  acc):
        cid = lax.axis_index("c")
        sid = lax.axis_index("s")
        wid = sid * NC + cid
        s0 = sid * STRIPE
        rows = (rows0, rows1, rows2)
        semg = (semg0, semg1, semg2)

        z = pltpu.async_copy(zerosd.at[pl.ds(s0, STRIPE)],
                             acc.at[pl.ds(s0, STRIPE)], sems)
        r = pltpu.async_copy(row2d.at[wid], ridx, semg0)
        c = pltpu.async_copy(mcol2d.at[wid], cidx, semg1)
        z.wait()
        r.wait()
        c.wait()
        plsc.subcore_barrier()

        pltpu.async_copy(hs_hbm.at[ridx.at[0]], rows0, semg0)
        if NCH > 1:
            pltpu.async_copy(hs_hbm.at[ridx.at[1]], rows1, semg1)

        def step(j, _):
            for b in range(3):

                @pl.when(lax.rem(j, 3) == b)
                def _():
                    pltpu.make_async_copy(
                        hs_hbm.at[ridx.at[j]], rows[b], semg[b]).wait()

                    @pl.when(j > 0)
                    def _():
                        pltpu.make_async_copy(
                            rows[(b + 2) % 3], acc.at[cidx.at[j - 1]],
                            sems).wait()

                    @pl.when(j + 2 < NCH)
                    def _():
                        pltpu.async_copy(
                            hs_hbm.at[ridx.at[j + 2]], rows[(b + 2) % 3],
                            semg[(b + 2) % 3])
                    pltpu.async_copy(rows[b], acc.at[cidx.at[j]], sems,
                                     add=True)
            return 0

        lax.fori_loop(0, NCH, step, 0)
        pltpu.make_async_copy(rows[(NCH - 1) % 3], acc.at[cidx.at[NCH - 1]],
                              sems).wait()
        plsc.subcore_barrier()
        pltpu.sync_copy(acc.at[pl.ds(s0, STRIPE)],
                        part_out.at[cid, pl.ds(s0, STRIPE)])

    return propagate


def _dinv_block(degp):
    deg = degp[0, :, 0:1] + degp[1, :, 0:1] + 1.0
    return lax.rsqrt(deg)


def _tc_scale_matmul(x_ref, w_ref, degp_ref, out_ref):
    dinv = _dinv_block(degp_ref[...])
    h = jnp.dot(x_ref[...], w_ref[...], preferred_element_type=jnp.float32)
    out_ref[...] = h * dinv


def _tc_combine_matmul(part_ref, hs_ref, degp_ref, w_ref, b_ref, out_ref):
    dinv = _dinv_block(degp_ref[...])
    s = part_ref[0] + part_ref[1] + hs_ref[...]
    z = jnp.maximum(dinv * s + b_ref[...], 0.0)
    h = jnp.dot(z, w_ref[...], preferred_element_type=jnp.float32)
    out_ref[...] = h * dinv


def _tc_final(part_ref, hs_ref, degp_ref, b_ref, out_ref):
    dinv = _dinv_block(degp_ref[...])
    s = part_ref[0] + part_ref[1] + hs_ref[...]
    out_ref[...] = dinv * s + b_ref[...]


def kernel(x, edge_index, cache_name, W1, b1, W2, b2, Wd, bd):
    N, Din = x.shape
    Dh = W1.shape[1]
    Do = W2.shape[1]
    E = edge_index.shape[1]
    D = Dh

    EPW = E // NW
    CH = min(80, _round_up(EPW, 8))
    NCH = -(-EPW // CH)
    PADW = NCH * CH - EPW
    STRIPE = -(-(N + 1) // NS)
    NACC = STRIPE * NS

    row = edge_index[0].astype(jnp.int32)
    col = edge_index[1].astype(jnp.int32)
    if PADW:
        padz = jnp.zeros((NW, PADW), jnp.int32)
        row2d = jnp.concatenate([row.reshape(NW, EPW), padz], 1).reshape(NW, NCH, CH)
        col2d = jnp.concatenate([col.reshape(NW, EPW), padz], 1).reshape(NW, NCH, CH)
    else:
        row2d = row.reshape(NW, NCH, CH)
        col2d = col.reshape(NW, NCH, CH)

    ones8 = jnp.ones((CH, 16), jnp.float32)
    zeros8 = jnp.zeros((NACC, 16), jnp.float32)
    zerosd = jnp.zeros((NACC, D), jnp.float32)
    b1r = b1.reshape(1, Dh)
    b2c = (b2 + jnp.asarray(cache_name, jnp.float32)).reshape(1, Do)

    mask_deg = _make_mask_deg_kernel(N, NCH, CH, NACC, STRIPE)
    propagate = _make_propagate_kernel(N, NCH, CH, D, NACC, STRIPE)

    mcol2d, degp = mask_deg(row2d, col2d, ones8, zeros8)

    BR = 2000
    grid = (N // BR,)
    degp_spec = pl.BlockSpec((NC, BR, 16), lambda i: (0, i, 0))
    row_spec = pl.BlockSpec((BR, Din), lambda i: (i, 0))
    part_spec = pl.BlockSpec((NC, BR, D), lambda i: (0, i, 0))
    w_spec = pl.BlockSpec((Din, Dh), lambda i: (0, 0))
    b_spec = pl.BlockSpec((1, Dh), lambda i: (0, 0))

    hs1 = pl.pallas_call(
        _tc_scale_matmul,
        grid=grid,
        in_specs=[row_spec, w_spec, degp_spec],
        out_specs=pl.BlockSpec((BR, Dh), lambda i: (i, 0)),
        out_shape=jax.ShapeDtypeStruct((N, Dh), jnp.float32),
    )(x, W1, degp)

    part1 = propagate(hs1, row2d, mcol2d, zerosd)

    hs2 = pl.pallas_call(
        _tc_combine_matmul,
        grid=grid,
        in_specs=[part_spec, row_spec, degp_spec, w_spec, b_spec],
        out_specs=pl.BlockSpec((BR, Do), lambda i: (i, 0)),
        out_shape=jax.ShapeDtypeStruct((N, Do), jnp.float32),
    )(part1, hs1, degp, W2, b1r)

    part2 = propagate(hs2, row2d, mcol2d, zerosd)

    out = pl.pallas_call(
        _tc_final,
        grid=grid,
        in_specs=[part_spec, row_spec, degp_spec, b_spec],
        out_specs=pl.BlockSpec((BR, Do), lambda i: (i, 0)),
        out_shape=jax.ShapeDtypeStruct((N, Do), jnp.float32),
    )(part2, hs2, degp, b2c)

    return out

# --- scband reference (transcript-rebuilt; emitter-appended) ---
"""Pipeline reference for scband-encoder-31550829756513 (READ-ONLY COPY).

The authoritative reference and input builder live on the scoring server;
editing this copy changes nothing except your own understanding.
"""

import jax, jax.numpy as jnp
import numpy as np

N_NODES = 10000
N_EDGES = 320000
IN_DIM = 128
HID_DIM = 128
OUT_DIM = 128


def setup_inputs(seed=0) -> dict:
    key = jax.random.key(seed)
    ks = jax.random.split(key, 8)
    x = jax.random.normal(ks[0], (N_NODES, IN_DIM), dtype=jnp.float32)
    edge_index = jax.random.randint(ks[1], (2, N_EDGES), 0, N_NODES, dtype=jnp.int64)
    W1 = jax.random.normal(ks[2], (IN_DIM, HID_DIM), dtype=jnp.float32) * (1.0 / np.sqrt(IN_DIM))
    b1 = jnp.zeros((HID_DIM,), dtype=jnp.float32)
    W2 = jax.random.normal(ks[3], (HID_DIM, OUT_DIM), dtype=jnp.float32) * (1.0 / np.sqrt(HID_DIM))
    b2 = jnp.zeros((OUT_DIM,), dtype=jnp.float32)
    Wd = jax.random.normal(ks[4], (OUT_DIM, 1), dtype=jnp.float32) * (1.0 / np.sqrt(OUT_DIM))
    bd = jnp.zeros((1,), dtype=jnp.float32)
    return {"x": x, "edge_index": edge_index, "cache_name": 0,
            "W1": W1, "b1": b1, "W2": W2, "b2": b2, "Wd": Wd, "bd": bd}


def gcn_norm(edge_index, num_nodes):
    # add_remaining_self_loops with all-ones edge_weight and fill_value=1 is
    # equivalent to: drop existing self loops, add one self loop per node w=1.
    row, col = edge_index[0], edge_index[1]
    keep = (row != col).astype(jnp.float32)
    loop = jnp.arange(num_nodes, dtype=row.dtype)
    row = jnp.concatenate([row, loop])
    col = jnp.concatenate([col, loop])
    w = jnp.concatenate([keep, jnp.ones((num_nodes,), dtype=jnp.float32)])
    deg = jnp.zeros((num_nodes,), dtype=jnp.float32).at[row].add(w)
    deg_inv_sqrt = jnp.where(deg > 0, deg ** -0.5, 0.0)
    norm = deg_inv_sqrt[row] * w * deg_inv_sqrt[col]
    return row, col, norm


def gconv(h, W, b, row, col, norm, num_nodes):
    h = h @ W
    msg = norm[:, None] * h[row]
    out = jnp.zeros((num_nodes, W.shape[1]), dtype=h.dtype).at[col].add(msg)
    return out + b


def reference(x, edge_index, cache_name, W1, b1, W2, b2, Wd, bd):
    N = x.shape[0]
    row, col, norm = gcn_norm(edge_index, N)
    # GCN branch
    g = gconv(x, W1, b1, row, col, norm, N)
    g = jax.nn.relu(g)  # dropout is identity in eval
    g = gconv(g, W2, b2, row, col, norm, N)
    # PPMI branch (shared weights; random-walk PPMI norm replaced by GCN norm)
    p = gconv(x, W1, b1, row, col, norm, N)
    p = jax.nn.relu(p)
    p = gconv(p, W2, b2, row, col, norm, N)
    stacked = jnp.stack([g, p], axis=1)  # [N, 2, OUT]
    weights = jax.nn.softmax(stacked @ Wd + bd, axis=1)  # [N, 2, 1]
    output = jnp.sum(stacked * weights, axis=1)
    output = output + jnp.asarray(cache_name, dtype=output.dtype)
    return output

if __name__ == "__main__":
    import jax
    _d = setup_inputs()
    print(jax.jit(kernel)(*tuple(_d.values())))

</pallas_src>

<mosaic_0001>
#map = affine_map<(d0, d1) -> (0, 0, 0)>
#map1 = affine_map<(d0, d1) -> (0, 0)>
module attributes {stable_mosaic.version = 14 : i64} {
  func.func @mask_deg(%arg0: i32, %arg1: i32, %arg2: memref<32x125x80xi32, #tpu.memory_space<hbm>>, %arg3: memref<32x125x80xi32, #tpu.memory_space<hbm>>, %arg4: memref<80x16xf32, #tpu.memory_space<hbm>>, %arg5: memref<10016x16xf32, #tpu.memory_space<hbm>>, %arg6: memref<32x125x80xi32, #tpu.memory_space<hbm>>, %arg7: memref<2x10016x16xf32, #tpu.memory_space<hbm>>, %arg8: memref<125x80xi32, #tpu.memory_space<vmem>>, %arg9: memref<125x80xi32, #tpu.memory_space<vmem>>, %arg10: memref<125x80xi32, #tpu.memory_space<vmem>>, %arg11: memref<125x80xi32, #tpu.memory_space<vmem>>, %arg12: memref<80x16xf32, #tpu.memory_space<vmem>>, %arg13: memref<!tpu.dma_semaphore, #tpu.memory_space<semaphore_mem>>, %arg14: memref<10016x16xf32, #tpu.memory_space<vmem_shared>>) attributes {dimension_semantics = [#tpu.dimension_semantics<core_parallel>, #tpu.dimension_semantics<subcore_parallel>], iteration_bounds = array<i64: 2, 16>, scalar_prefetch = 0 : i64, scratch_operands = 7 : i64, tpu.core_type = #tpu.core_type<sc_vector_subcore>, window_params = [{transform_indices = #map}, {transform_indices = #map}, {transform_indices = #map1}, {transform_indices = #map1}, {transform_indices = #map}, {transform_indices = #map}]} {
    %mul3A = arith.constant 2 : i32
    %mul3A_0 = arith.muli %arg1, %mul3A : i32
    %add3A = arith.addi %mul3A_0, %arg0 : i32
    %mul3A_1 = arith.constant 626 : i32
    %mul3A_2 = arith.muli %arg1, %mul3A_1 : i32
    %iota3A = tpu.iota {dimensions = array<i32: 0>} : vector<16xi32>
    %dma_start3A = arith.constant 0 : i32
    %dma_start3A_3 = tpu.memref_slice %arg14[%mul3A_2, %dma_start3A] : memref<10016x16xf32, #tpu.memory_space<vmem_shared>> -> memref<626x16xf32, #tpu.memory_space<vmem_shared>>
    %dma_start3A_4 = arith.constant 0 : i32
    %dma_start3A_5 = tpu.memref_slice %arg5[%mul3A_2, %dma_start3A_4] : memref<10016x16xf32, #tpu.memory_space<hbm>> -> memref<626x16xf32, #tpu.memory_space<hbm>>
    tpu.enqueue_dma source(%dma_start3A_5 : memref<626x16xf32, #tpu.memory_space<hbm>>) target(%dma_start3A_3 : memref<626x16xf32, #tpu.memory_space<vmem_shared>>) target_semaphore(%arg13 : memref<!tpu.dma_semaphore, #tpu.memory_space<semaphore_mem>>)
    %dma_start3A_6 = arith.constant 0 : i32
    %dma_start3A_7 = arith.constant 0 : i32
    %dma_start3A_8 = tpu.memref_slice %arg2[%add3A, %dma_start3A_6, %dma_start3A_7] : memref<32x125x80xi32, #tpu.memory_space<hbm>> -> memref<1x125x80xi32, #tpu.memory_space<hbm>>
    %dma_start3A_9 = tpu.memref_squeeze %dma_start3A_8 : memref<1x125x80xi32, #tpu.memory_space<hbm>> -> memref<125x80xi32, #tpu.memory_space<hbm>>
    %dma_start3A_10 = arith.constant 0 : i32
    %dma_start3A_11 = arith.constant 0 : i32
    %dma_start3A_12 = tpu.memref_slice %arg2[%add3A, %dma_start3A_10, %dma_start3A_11] : memref<32x125x80xi32, #tpu.memory_space<hbm>> -> memref<1x125x80xi32, #tpu.memory_space<hbm>>
    %dma_start3A_13 = tpu.memref_squeeze %dma_start3A_12 : memref<1x125x80xi32, #tpu.memory_space<hbm>> -> memref<125x80xi32, #tpu.memory_space<hbm>>
    tpu.enqueue_dma source(%dma_start3A_13 : memref<125x80xi32, #tpu.memory_space<hbm>>) target(%arg8 : memref<125x80xi32, #tpu.memory_space<vmem>>) target_semaphore(%arg13 : memref<!tpu.dma_semaphore, #tpu.memory_space<semaphore_mem>>)
    %dma_start3A_14 = arith.constant 0 : i32
    %dma_start3A_15 = arith.constant 0 : i32
    %dma_start3A_16 = tpu.memref_slice %arg3[%add3A, %dma_start3A_14, %dma_start3A_15] : memref<32x125x80xi32, #tpu.memory_space<hbm>> -> memref<1x125x80xi32, #tpu.memory_space<hbm>>
    %dma_start3A_17 = tpu.memref_squeeze %dma_start3A_16 : memref<1x125x80xi32, #tpu.memory_space<hbm>> -> memref<125x80xi32, #tpu.memory_space<hbm>>
    %dma_start3A_18 = arith.constant 0 : i32
    %dma_start3A_19 = arith.constant 0 : i32
    %dma_start3A_20 = tpu.memref_slice %arg3[%add3A, %dma_start3A_18, %dma_start3A_19] : memref<32x125x80xi32, #tpu.memory_space<hbm>> -> memref<1x125x80xi32, #tpu.memory_space<hbm>>
    %dma_start3A_21 = tpu.memref_squeeze %dma_start3A_20 : memref<1x125x80xi32, #tpu.memory_space<hbm>> -> memref<125x80xi32, #tpu.memory_space<hbm>>
    tpu.enqueue_dma source(%dma_start3A_21 : memref<125x80xi32, #tpu.memory_space<hbm>>) target(%arg9 : memref<125x80xi32, #tpu.memory_space<vmem>>) target_semaphore(%arg13 : memref<!tpu.dma_semaphore, #tpu.memory_space<semaphore_mem>>)
    tpu.enqueue_dma source(%arg4 : memref<80x16xf32, #tpu.memory_space<hbm>>) target(%arg12 : memref<80x16xf32, #tpu.memory_space<vmem>>) target_semaphore(%arg13 : memref<!tpu.dma_semaphore, #tpu.memory_space<semaphore_mem>>)
    %dma_wait3A = arith.constant 0 : i32
    %dma_wait3A_22 = tpu.memref_slice %arg14[%mul3A_2, %dma_wait3A] : memref<10016x16xf32, #tpu.memory_space<vmem_shared>> -> memref<626x16xf32, #tpu.memory_space<vmem_shared>>
    %dma_wait3A_23 = arith.constant 0 : i32
    %dma_wait3A_24 = tpu.memref_slice %arg5[%mul3A_2, %dma_wait3A_23] : memref<10016x16xf32, #tpu.memory_space<hbm>> -> memref<626x16xf32, #tpu.memory_space<hbm>>
    tpu.wait_dma2 semaphore(%arg13 : memref<!tpu.dma_semaphore, #tpu.memory_space<semaphore_mem>>) src(%dma_wait3A_24 : memref<626x16xf32, #tpu.memory_space<hbm>>) dst(%dma_wait3A_22 : memref<626x16xf32, #tpu.memory_space<vmem_shared>>)
    %dma_wait3A_25 = arith.constant 0 : i32
    %dma_wait3A_26 = arith.constant 0 : i32
    %dma_wait3A_27 = tpu.memref_slice %arg2[%add3A, %dma_wait3A_25, %dma_wait3A_26] : memref<32x125x80xi32, #tpu.memory_space<hbm>> -> memref<1x125x80xi32, #tpu.memory_space<hbm>>
    %dma_wait3A_28 = tpu.memref_squeeze %dma_wait3A_27 : memref<1x125x80xi32, #tpu.memory_space<hbm>> -> memref<125x80xi32, #tpu.memory_space<hbm>>
    %dma_wait3A_29 = arith.constant 0 : i32
    %dma_wait3A_30 = arith.constant 0 : i32
    %dma_wait3A_31 = tpu.memref_slice %arg2[%add3A, %dma_wait3A_29, %dma_wait3A_30] : memref<32x125x80xi32, #tpu.memory_space<hbm>> -> memref<1x125x80xi32, #tpu.memory_space<hbm>>
    %dma_wait3A_32 = tpu.memref_squeeze %dma_wait3A_31 : memref<1x125x80xi32, #tpu.memory_space<hbm>> -> memref<125x80xi32, #tpu.memory_space<hbm>>
    tpu.wait_dma2 semaphore(%arg13 : memref<!tpu.dma_semaphore, #tpu.memory_space<semaphore_mem>>) src(%dma_wait3A_32 : memref<125x80xi32, #tpu.memory_space<hbm>>) dst(%arg8 : memref<125x80xi32, #tpu.memory_space<vmem>>)
    %dma_wait3A_33 = arith.constant 0 : i32
    %dma_wait3A_34 = arith.constant 0 : i32
    %dma_wait3A_35 = tpu.memref_slice %arg3[%add3A, %dma_wait3A_33, %dma_wait3A_34] : memref<32x125x80xi32, #tpu.memory_space<hbm>> -> memref<1x125x80xi32, #tpu.memory_space<hbm>>
    %dma_wait3A_36 = tpu.memref_squeeze %dma_wait3A_35 : memref<1x125x80xi32, #tpu.memory_space<hbm>> -> memref<125x80xi32, #tpu.memory_space<hbm>>
    %dma_wait3A_37 = arith.constant 0 : i32
    %dma_wait3A_38 = arith.constant 0 : i32
    %dma_wait3A_39 = tpu.memref_slice %arg3[%add3A, %dma_wait3A_37, %dma_wait3A_38] : memref<32x125x80xi32, #tpu.memory_space<hbm>> -> memref<1x125x80xi32, #tpu.memory_space<hbm>>
    %dma_wait3A_40 = tpu.memref_squeeze %dma_wait3A_39 : memref<1x125x80xi32, #tpu.memory_space<hbm>> -> memref<125x80xi32, #tpu.memory_space<hbm>>
    tpu.wait_dma2 semaphore(%arg13 : memref<!tpu.dma_semaphore, #tpu.memory_space<semaphore_mem>>) src(%dma_wait3A_40 : memref<125x80xi32, #tpu.memory_space<hbm>>) dst(%arg9 : memref<125x80xi32, #tpu.memory_space<vmem>>)
    tpu.wait_dma2 semaphore(%arg13 : memref<!tpu.dma_semaphore, #tpu.memory_space<semaphore_mem>>) src(%arg4 : memref<80x16xf32, #tpu.memory_space<hbm>>) dst(%arg12 : memref<80x16xf32, #tpu.memory_space<vmem>>)
    %scan3A = arith.constant 0 : i32
    %scan3A_41 = arith.constant 0 : i32
    %scan3A_42 = arith.constant 125 : i32
    %scan3A_43 = arith.addi %scan3A_41, %scan3A_42 : i32
    %scan3A_44 = arith.constant 1 : i32
    %scan3A_45 = scf.for %scan3A_55 = %scan3A_41 to %scan3A_43 step %scan3A_44 iter_args(%scan3A_56 = %scan3A) -> (i32)  : i32 {
      %get3A = arith.index_cast %scan3A_55 : i32 to index
      %get3A_57 = arith.constant 0 : index
      %get3A_58 = tpu.vector_load %arg8[%get3A, %get3A_57] {strides = array<i32>} : memref<125x80xi32, #tpu.memory_space<vmem>>, vector<1x16xi32>,
      %get3A_59 = vector.shape_cast %get3A_58 : vector<1x16xi32> to vector<16xi32>
      %get3A_60 = arith.index_cast %scan3A_55 : i32 to index
      %get3A_61 = arith.constant 0 : index
      %get3A_62 = tpu.vector_load %arg9[%get3A_60, %get3A_61] {strides = array<i32>} : memref<125x80xi32, #tpu.memory_space<vmem>>, vector<1x16xi32>,
      %get3A_63 = vector.shape_cast %get3A_62 : vector<1x16xi32> to vector<16xi32>
      %eq3A = arith.cmpi eq, %get3A_59, %get3A_63 : vector<16xi32>
      %mul3A_64 = arith.constant 5 : i32
      %mul3A_65 = arith.muli %scan3A_55, %mul3A_64 : i32
      %add3A_66 = arith.constant 0 : i32
      %add3A_67 = arith.addi %mul3A_65, %add3A_66 : i32
      %mul3A_68 = arith.constant 16 : i32
      %mul3A_69 = arith.muli %add3A_67, %mul3A_68 : i32
      %rem3A = arith.constant 16 : i32
      %rem3A_70 = arith.remsi %mul3A_69, %rem3A : i32
      %add3A_71 = arith.constant 10000 : i32
      %add3A_72 = arith.addi %add3A_71, %rem3A_70 : i32
      %add3A_73 = vector.broadcast %add3A_72 : i32 to vector<16xi32>
      %add3A_74 = arith.addi %add3A_73, %iota3A : vector<16xi32>
      %select_n3A = arith.select %eq3A, %add3A_74, %get3A_59 : vector<16xi1>, vector<16xi32>
      %swap3A = arith.index_cast %scan3A_55 : i32 to index
      %swap3A_75 = arith.constant 0 : index
      %swap3A_76 = tpu.vector_load %arg10[%swap3A, %swap3A_75] {strides = array<i32>} : memref<125x80xi32, #tpu.memory_space<vmem>>, vector<1x16xi32>,
      %swap3A_77 = vector.shape_cast %swap3A_76 : vector<1x16xi32> to vector<16xi32>
      %swap3A_78 = vector.shape_cast %select_n3A : vector<16xi32> to vector<1x16xi32>
      tpu.vector_store %arg10[%swap3A, %swap3A_75], %swap3A_78 {strides = array<i32>} : memref<125x80xi32, #tpu.memory_space<vmem>>, vector<1x16xi32>,
      %select_n3A_79 = arith.select %eq3A, %add3A_74, %get3A_63 : vector<16xi1>, vector<16xi32>
      %swap3A_80 = arith.index_cast %scan3A_55 : i32 to index
      %swap3A_81 = arith.constant 0 : index
      %swap3A_82 = tpu.vector_load %arg11[%swap3A_80, %swap3A_81] {strides = array<i32>} : memref<125x80xi32, #tpu.memory_space<vmem>>, vector<1x16xi32>,
      %swap3A_83 = vector.shape_cast %swap3A_82 : vector<1x16xi32> to vector<16xi32>
      %swap3A_84 = vector.shape_cast %select_n3A_79 : vector<16xi32> to vector<1x16xi32>
      tpu.vector_store %arg11[%swap3A_80, %swap3A_81], %swap3A_84 {strides = array<i32>} : memref<125x80xi32, #tpu.memory_space<vmem>>, vector<1x16xi32>,
      %get3A_85 = arith.index_cast %scan3A_55 : i32 to index
      %get3A_86 = arith.constant 16 : index
      %get3A_87 = tpu.vector_load %arg8[%get3A_85, %get3A_86] {strides = array<i32>} : memref<125x80xi32, #tpu.memory_space<vmem>>, vector<1x16xi32>,
      %get3A_88 = vector.shape_cast %get3A_87 : vector<1x16xi32> to vector<16xi32>
      %get3A_89 = arith.index_cast %scan3A_55 : i32 to index
      %get3A_90 = arith.constant 16 : index
      %get3A_91 = tpu.vector_load %arg9[%get3A_89, %get3A_90] {strides = array<i32>} : memref<125x80xi32, #tpu.memory_space<vmem>>, vector<1x16xi32>,
      %get3A_92 = vector.shape_cast %get3A_91 : vector<1x16xi32> to vector<16xi32>
      %eq3A_93 = arith.cmpi eq, %get3A_88, %get3A_92 : vector<16xi32>
      %mul3A_94 = arith.constant 5 : i32
      %mul3A_95 = arith.muli %scan3A_55, %mul3A_94 : i32
      %add3A_96 = arith.constant 1 : i32
      %add3A_97 = arith.addi %mul3A_95, %add3A_96 : i32
      %mul3A_98 = arith.constant 16 : i32
      %mul3A_99 = arith.muli %add3A_97, %mul3A_98 : i32
      %rem3A_100 = arith.constant 16 : i32
      %rem3A_101 = arith.remsi %mul3A_99, %rem3A_100 : i32
      %add3A_102 = arith.constant 10000 : i32
      %add3A_103 = arith.addi %add3A_102, %rem3A_101 : i32
      %add3A_104 = vector.broadcast %add3A_103 : i32 to vector<16xi32>
      %add3A_105 = arith.addi %add3A_104, %iota3A : vector<16xi32>
      %select_n3A_106 = arith.select %eq3A_93, %add3A_105, %get3A_88 : vector<16xi1>, vector<16xi32>
      %swap3A_107 = arith.index_cast %scan3A_55 : i32 to index
      %swap3A_108 = arith.constant 16 : index
      %swap3A_109 = tpu.vector_load %arg10[%swap3A_107, %swap3A_108] {strides = array<i32>} : memref<125x80xi32, #tpu.memory_space<vmem>>, vector<1x16xi32>,
      %swap3A_110 = vector.shape_cast %swap3A_109 : vector<1x16xi32> to vector<16xi32>
      %swap3A_111 = vector.shape_cast %select_n3A_106 : vector<16xi32> to vector<1x16xi32>
      tpu.vector_store %arg10[%swap3A_107, %swap3A_108], %swap3A_111 {strides = array<i32>} : memref<125x80xi32, #tpu.memory_space<vmem>>, vector<1x16xi32>,
      %select_n3A_112 = arith.select %eq3A_93, %add3A_105, %get3A_92 : vector<16xi1>, vector<16xi32>
      %swap3A_113 = arith.index_cast %scan3A_55 : i32 to index
      %swap3A_114 = arith.constant 16 : index
      %swap3A_115 = tpu.vector_load %arg11[%swap3A_113, %swap3A_114] {strides = array<i32>} : memref<125x80xi32, #tpu.memory_space<vmem>>, vector<1x16xi32>,
      %swap3A_116 = vector.shape_cast %swap3A_115 : vector<1x16xi32> to vector<16xi32>
      %swap3A_117 = vector.shape_cast %select_n3A_112 : vector<16xi32> to vector<1x16xi32>
      tpu.vector_store %arg11[%swap3A_113, %swap3A_114], %swap3A_117 {strides = array<i32>} : memref<125x80xi32, #tpu.memory_space<vmem>>, vector<1x16xi32>,
      %get3A_118 = arith.index_cast %scan3A_55 : i32 to index
      %get3A_119 = arith.constant 32 : index
      %get3A_120 = tpu.vector_load %arg8[%get3A_118, %get3A_119] {strides = array<i32>} : memref<125x80xi32, #tpu.memory_space<vmem>>, vector<1x16xi32>,
      %get3A_121 = vector.shape_cast %get3A_120 : vector<1x16xi32> to vector<16xi32>
      %get3A_122 = arith.index_cast %scan3A_55 : i32 to index
      %get3A_123 = arith.constant 32 : index
      %get3A_124 = tpu.vector_load %arg9[%get3A_122, %get3A_123] {strides = array<i32>} : memref<125x80xi32, #tpu.memory_space<vmem>>, vector<1x16xi32>,
      %get3A_125 = vector.shape_cast %get3A_124 : vector<1x16xi32> to vector<16xi32>
      %eq3A_126 = arith.cmpi eq, %get3A_121, %get3A_125 : vector<16xi32>
      %mul3A_127 = arith.constant 5 : i32
      %mul3A_128 = arith.muli %scan3A_55, %mul3A_127 : i32
      %add3A_129 = arith.constant 2 : i32
      %add3A_130 = arith.addi %mul3A_128, %add3A_129 : i32
      %mul3A_131 = arith.constant 16 : i32
      %mul3A_132 = arith.muli %add3A_130, %mul3A_131 : i32
      %rem3A_133 = arith.constant 16 : i32
      %rem3A_134 = arith.remsi %mul3A_132, %rem3A_133 : i32
      %add3A_135 = arith.constant 10000 : i32
      %add3A_136 = arith.addi %add3A_135, %rem3A_134 : i32
      %add3A_137 = vector.broadcast %add3A_136 : i32 to vector<16xi32>
      %add3A_138 = arith.addi %add3A_137, %iota3A : vector<16xi32>
      %select_n3A_139 = arith.select %eq3A_126, %add3A_138, %get3A_121 : vector<16xi1>, vector<16xi32>
      %swap3A_140 = arith.index_cast %scan3A_55 : i32 to index
      %swap3A_141 = arith.constant 32 : index
      %swap3A_142 = tpu.vector_load %arg10[%swap3A_140, %swap3A_141] {strides = array<i32>} : memref<125x80xi32, #tpu.memory_space<vmem>>, vector<1x16xi32>,
      %swap3A_143 = vector.shape_cast %swap3A_142 : vector<1x16xi32> to vector<16xi32>
      %swap3A_144 = vector.shape_cast %select_n3A_139 : vector<16xi32> to vector<1x16xi32>
      tpu.vector_store %arg10[%swap3A_140, %swap3A_141], %swap3A_144 {strides = array<i32>} : memref<125x80xi32, #tpu.memory_space<vmem>>, vector<1x16xi32>,
      %select_n3A_145 = arith.select %eq3A_126, %add3A_138, %get3A_125 : vector<16xi1>, vector<16xi32>
      %swap3A_146 = arith.index_cast %scan3A_55 : i32 to index
      %swap3A_147 = arith.constant 32 : index
      %swap3A_148 = tpu.vector_load %arg11[%swap3A_146, %swap3A_147] {strides = array<i32>} : memref<125x80xi32, #tpu.memory_space<vmem>>, vector<1x16xi32>,
      %swap3A_149 = vector.shape_cast %swap3A_148 : vector<1x16xi32> to vector<16xi32>
      %swap3A_150 = vector.shape_cast %select_n3A_145 : vector<16xi32> to vector<1x16xi32>
      tpu.vector_store %arg11[%swap3A_146, %swap3A_147], %swap3A_150 {strides = array<i32>} : memref<125x80xi32, #tpu.memory_space<vmem>>, vector<1x16xi32>,
      %get3A_151 = arith.index_cast %scan3A_55 : i32 to index
      %get3A_152 = arith.constant 48 : index
      %get3A_153 = tpu.vector_load %arg8[%get3A_151, %get3A_152] {strides = array<i32>} : memref<125x80xi32, #tpu.memory_space<vmem>>, vector<1x16xi32>,
      %get3A_154 = vector.shape_cast %get3A_153 : vector<1x16xi32> to vector<16xi32>
      %get3A_155 = arith.index_cast %scan3A_55 : i32 to index
      %get3A_156 = arith.constant 48 : index
      %get3A_157 = tpu.vector_load %arg9[%get3A_155, %get3A_156] {strides = array<i32>} : memref<125x80xi32, #tpu.memory_space<vmem>>, vector<1x16xi32>,
      %get3A_158 = vector.shape_cast %get3A_157 : vector<1x16xi32> to vector<16xi32>
      %eq3A_159 = arith.cmpi eq, %get3A_154, %get3A_158 : vector<16xi32>
      %mul3A_160 = arith.constant 5 : i32
      %mul3A_161 = arith.muli %scan3A_55, %mul3A_160 : i32
      %add3A_162 = arith.constant 3 : i32
      %add3A_163 = arith.addi %mul3A_161, %add3A_162 : i32
      %mul3A_164 = arith.constant 16 : i32
      %mul3A_165 = arith.muli %add3A_163, %mul3A_164 : i32
      %rem3A_166 = arith.constant 16 : i32
      %rem3A_167 = arith.remsi %mul3A_165, %rem3A_166 : i32
      %add3A_168 = arith.constant 10000 : i32
      %add3A_169 = arith.addi %add3A_168, %rem3A_167 : i32
      %add3A_170 = vector.broadcast %add3A_169 : i32 to vector<16xi32>
      %add3A_171 = arith.addi %add3A_170, %iota3A : vector<16xi32>
      %select_n3A_172 = arith.select %eq3A_159, %add3A_171, %get3A_154 : vector<16xi1>, vector<16xi32>
      %swap3A_173 = arith.index_cast %scan3A_55 : i32 to index
      %swap3A_174 = arith.constant 48 : index
      %swap3A_175 = tpu.vector_load %arg10[%swap3A_173, %swap3A_174] {strides = array<i32>} : memref<125x80xi32, #tpu.memory_space<vmem>>, vector<1x16xi32>,
      %swap3A_176 = vector.shape_cast %swap3A_175 : vector<1x16xi32> to vector<16xi32>
      %swap3A_177 = vector.shape_cast %select_n3A_172 : vector<16xi32> to vector<1x16xi32>
      tpu.vector_store %arg10[%swap3A_173, %swap3A_174], %swap3A_177 {strides = array<i32>} : memref<125x80xi32, #tpu.memory_space<vmem>>, vector<1x16xi32>,
      %select_n3A_178 = arith.select %eq3A_159, %add3A_171, %get3A_158 : vector<16xi1>, vector<16xi32>
      %swap3A_179 = arith.index_cast %scan3A_55 : i32 to index
      %swap3A_180 = arith.constant 48 : index
      %swap3A_181 = tpu.vector_load %arg11[%swap3A_179, %swap3A_180] {strides = array<i32>} : memref<125x80xi32, #tpu.memory_space<vmem>>, vector<1x16xi32>,
      %swap3A_182 = vector.shape_cast %swap3A_181 : vector<1x16xi32> to vector<16xi32>
      %swap3A_183 = vector.shape_cast %select_n3A_178 : vector<16xi32> to vector<1x16xi32>
      tpu.vector_store %arg11[%swap3A_179, %swap3A_180], %swap3A_183 {strides = array<i32>} : memref<125x80xi32, #tpu.memory_space<vmem>>, vector<1x16xi32>,
      %get3A_184 = arith.index_cast %scan3A_55 : i32 to index
      %get3A_185 = arith.constant 64 : index
      %get3A_186 = tpu.vector_load %arg8[%get3A_184, %get3A_185] {strides = array<i32>} : memref<125x80xi32, #tpu.memory_space<vmem>>, vector<1x16xi32>,
      %get3A_187 = vector.shape_cast %get3A_186 : vector<1x16xi32> to vector<16xi32>
      %get3A_188 = arith.index_cast %scan3A_55 : i32 to index
      %get3A_189 = arith.constant 64 : index
      %get3A_190 = tpu.vector_load %arg9[%get3A_188, %get3A_189] {strides = array<i32>} : memref<125x80xi32, #tpu.memory_space<vmem>>, vector<1x16xi32>,
      %get3A_191 = vector.shape_cast %get3A_190 : vector<1x16xi32> to vector<16xi32>
      %eq3A_192 = arith.cmpi eq, %get3A_187, %get3A_191 : vector<16xi32>
      %mul3A_193 = arith.constant 5 : i32
      %mul3A_194 = arith.muli %scan3A_55, %mul3A_193 : i32
      %add3A_195 = arith.constant 4 : i32
      %add3A_196 = arith.addi %mul3A_194, %add3A_195 : i32
      %mul3A_197 = arith.constant 16 : i32
      %mul3A_198 = arith.muli %add3A_196, %mul3A_197 : i32
      %rem3A_199 = arith.constant 16 : i32
      %rem3A_200 = arith.remsi %mul3A_198, %rem3A_199 : i32
      %add3A_201 = arith.constant 10000 : i32
      %add3A_202 = arith.addi %add3A_201, %rem3A_200 : i32
      %add3A_203 = vector.broadcast %add3A_202 : i32 to vector<16xi32>
      %add3A_204 = arith.addi %add3A_203, %iota3A : vector<16xi32>
      %select_n3A_205 = arith.select %eq3A_192, %add3A_204, %get3A_187 : vector<16xi1>, vector<16xi32>
      %swap3A_206 = arith.index_cast %scan3A_55 : i32 to index
      %swap3A_207 = arith.constant 64 : index
      %swap3A_208 = tpu.vector_load %arg10[%swap3A_206, %swap3A_207] {strides = array<i32>} : memref<125x80xi32, #tpu.memory_space<vmem>>, vector<1x16xi32>,
      %swap3A_209 = vector.shape_cast %swap3A_208 : vector<1x16xi32> to vector<16xi32>
      %swap3A_210 = vector.shape_cast %select_n3A_205 : vector<16xi32> to vector<1x16xi32>
      tpu.vector_store %arg10[%swap3A_206, %swap3A_207], %swap3A_210 {strides = array<i32>} : memref<125x80xi32, #tpu.memory_space<vmem>>, vector<1x16xi32>,
      %select_n3A_211 = arith.select %eq3A_192, %add3A_204, %get3A_191 : vector<16xi1>, vector<16xi32>
      %swap3A_212 = arith.index_cast %scan3A_55 : i32 to index
      %swap3A_213 = arith.constant 64 : index
      %swap3A_214 = tpu.vector_load %arg11[%swap3A_212, %swap3A_213] {strides = array<i32>} : memref<125x80xi32, #tpu.memory_space<vmem>>, vector<1x16xi32>,
      %swap3A_215 = vector.shape_cast %swap3A_214 : vector<1x16xi32> to vector<16xi32>
      %swap3A_216 = vector.shape_cast %select_n3A_211 : vector<16xi32> to vector<1x16xi32>
      tpu.vector_store %arg11[%swap3A_212, %swap3A_213], %swap3A_216 {strides = array<i32>} : memref<125x80xi32, #tpu.memory_space<vmem>>, vector<1x16xi32>,
      %scan3A_217 = arith.constant 0 : i32
      scf.yield %scan3A_217 : i32
    }
    %scan3A_46 = arith.constant 125 : i32
    "tpu.region"() ({
      %run_scoped3A = tpu.sem_alloc : memref<!tpu.dma_semaphore, #tpu.memory_space<semaphore_mem>>
      %dma_start3A_55 = arith.constant 0 : i32
      %dma_start3A_56 = arith.constant 0 : i32
      %dma_start3A_57 = tpu.memref_slice %arg6[%add3A, %dma_start3A_55, %dma_start3A_56] : memref<32x125x80xi32, #tpu.memory_space<hbm>> -> memref<1x125x80xi32, #tpu.memory_space<hbm>>
      %dma_start3A_58 = tpu.memref_squeeze %dma_start3A_57 : memref<1x125x80xi32, #tpu.memory_space<hbm>> -> memref<125x80xi32, #tpu.memory_space<hbm>>
      %dma_start3A_59 = arith.constant 0 : i32
      %dma_start3A_60 = arith.constant 0 : i32
      %dma_start3A_61 = tpu.memref_slice %arg6[%add3A, %dma_start3A_59, %dma_start3A_60] : memref<32x125x80xi32, #tpu.memory_space<hbm>> -> memref<1x125x80xi32, #tpu.memory_space<hbm>>
      %dma_start3A_62 = tpu.memref_squeeze %dma_start3A_61 : memref<1x125x80xi32, #tpu.memory_space<hbm>> -> memref<125x80xi32, #tpu.memory_space<hbm>>
      tpu.enqueue_dma source(%arg11 : memref<125x80xi32, #tpu.memory_space<vmem>>) target(%dma_start3A_62 : memref<125x80xi32, #tpu.memory_space<hbm>>) target_semaphore(%run_scoped3A : memref<!tpu.dma_semaphore, #tpu.memory_space<semaphore_mem>>)
      %dma_wait3A_63 = arith.constant 0 : i32
      %dma_wait3A_64 = arith.constant 0 : i32
      %dma_wait3A_65 = tpu.memref_slice %arg6[%add3A, %dma_wait3A_63, %dma_wait3A_64] : memref<32x125x80xi32, #tpu.memory_space<hbm>> -> memref<1x125x80xi32, #tpu.memory_space<hbm>>
      %dma_wait3A_66 = tpu.memref_squeeze %dma_wait3A_65 : memref<1x125x80xi32, #tpu.memory_space<hbm>> -> memref<125x80xi32, #tpu.memory_space<hbm>>
      %dma_wait3A_67 = arith.constant 0 : i32
      %dma_wait3A_68 = arith.constant 0 : i32
      %dma_wait3A_69 = tpu.memref_slice %arg6[%add3A, %dma_wait3A_67, %dma_wait3A_68] : memref<32x125x80xi32, #tpu.memory_space<hbm>> -> memref<1x125x80xi32, #tpu.memory_space<hbm>>
      %dma_wait3A_70 = tpu.memref_squeeze %dma_wait3A_69 : memref<1x125x80xi32, #tpu.memory_space<hbm>> -> memref<125x80xi32, #tpu.memory_space<hbm>>
      tpu.wait_dma2 semaphore(%run_scoped3A : memref<!tpu.dma_semaphore, #tpu.memory_space<semaphore_mem>>) src(%arg11 : memref<125x80xi32, #tpu.memory_space<vmem>>) dst(%dma_wait3A_70 : memref<125x80xi32, #tpu.memory_space<hbm>>)
      tpu.yield
    }) : () -> ()
    %barrier3A = arith.constant 0 : index
    tpu.barrier barrier_id(%barrier3A)
    %scan3A_47 = arith.constant 0 : i32
    %scan3A_48 = arith.constant 0 : i32
    %scan3A_49 = arith.constant 125 : i32
    %scan3A_50 = arith.addi %scan3A_48, %scan3A_49 : i32
    %scan3A_51 = arith.constant 1 : i32
    %scan3A_52 = scf.for %scan3A_55 = %scan3A_48 to %scan3A_50 step %scan3A_51 iter_args(%scan3A_56 = %scan3A_47) -> (i32)  : i32 {
      "tpu.region"() ({
        %run_scoped3A = tpu.sem_alloc : memref<!tpu.dma_semaphore, #tpu.memory_space<semaphore_mem>>
        %dma_start3A_58 = arith.constant 0 : i32
        %dma_start3A_59 = tpu.memref_slice %arg10[%scan3A_55, %dma_start3A_58] : memref<125x80xi32, #tpu.memory_space<vmem>> -> memref<1x80xi32, #tpu.memory_space<vmem>>
        %dma_start3A_60 = tpu.memref_squeeze %dma_start3A_59 : memref<1x80xi32, #tpu.memory_space<vmem>> -> memref<80xi32, #tpu.memory_space<vmem>>
        %dma_start3A_61 = arith.constant 0 : i32
        %dma_start3A_62 = arith.constant 0 : i32
        %dma_start3A_63 = tpu.memref_slice %arg14[%dma_start3A_61, %dma_start3A_62] : memref<10016x16xf32, #tpu.memory_space<vmem_shared>> -> memref<10016x16xf32, #tpu.memory_space<vmem_shared>>
        tpu.enqueue_indirect_dma source(%arg12 : memref<80x16xf32, #tpu.memory_space<vmem>>) target(%dma_start3A_63 : memref<10016x16xf32, #tpu.memory_space<vmem_shared>>) offsets(%dma_start3A_60 : memref<80xi32, #tpu.memory_space<vmem>>) semaphore(%run_scoped3A : memref<!tpu.dma_semaphore, #tpu.memory_space<semaphore_mem>>) {add = true}
        %dma_wait3A_64 = arith.constant 0 : i32
        %dma_wait3A_65 = tpu.memref_slice %arg10[%scan3A_55, %dma_wait3A_64] : memref<125x80xi32, #tpu.memory_space<vmem>> -> memref<1x80xi32, #tpu.memory_space<vmem>>
        %dma_wait3A_66 = tpu.memref_squeeze %dma_wait3A_65 : memref<1x80xi32, #tpu.memory_space<vmem>> -> memref<80xi32, #tpu.memory_space<vmem>>
        %dma_wait3A_67 = arith.constant 0 : i32
        %dma_wait3A_68 = arith.constant 0 : i32
        %dma_wait3A_69 = tpu.memref_slice %arg14[%dma_wait3A_67, %dma_wait3A_68] : memref<10016x16xf32, #tpu.memory_space<vmem_shared>> -> memref<10016x16xf32, #tpu.memory_space<vmem_shared>>
        tpu.wait_indirect_dma semaphore(%run_scoped3A : memref<!tpu.dma_semaphore, #tpu.memory_space<semaphore_mem>>) src(%arg12 : memref<80x16xf32, #tpu.memory_space<vmem>>) dst(%dma_wait3A_69 : memref<10016x16xf32, #tpu.memory_space<vmem_shared>>)
        tpu.yield
      }) : () -> ()
      %scan3A_57 = arith.constant 0 : i32
      scf.yield %scan3A_57 : i32
    }
    %scan3A_53 = arith.constant 125 : i32
    %barrier3A_54 = arith.constant 0 : index
    tpu.barrier barrier_id(%barrier3A_54)
    "tpu.region"() ({
      %run_scoped3A = tpu.sem_alloc : memref<!tpu.dma_semaphore, #tpu.memory_space<semaphore_mem>>
      %dma_start3A_55 = arith.constant 0 : i32
      %dma_start3A_56 = tpu.memref_slice %arg7[%arg0, %mul3A_2, %dma_start3A_55] : memref<2x10016x16xf32, #tpu.memory_space<hbm>> -> memref<1x626x16xf32, #tpu.memory_space<hbm>>
      %dma_start3A_57 = tpu.memref_squeeze %dma_start3A_56 : memref<1x626x16xf32, #tpu.memory_space<hbm>> -> memref<626x16xf32, #tpu.memory_space<hbm>>
      %dma_start3A_58 = arith.constant 0 : i32
      %dma_start3A_59 = tpu.memref_slice %arg14[%mul3A_2, %dma_start3A_58] : memref<10016x16xf32, #tpu.memory_space<vmem_shared>> -> memref<626x16xf32, #tpu.memory_space<vmem_shared>>
      tpu.enqueue_dma source(%dma_start3A_59 : memref<626x16xf32, #tpu.memory_space<vmem_shared>>) target(%dma_start3A_57 : memref<626x16xf32, #tpu.memory_space<hbm>>) target_semaphore(%run_scoped3A : memref<!tpu.dma_semaphore, #tpu.memory_space<semaphore_mem>>)
      %dma_wait3A_60 = arith.constant 0 : i32
      %dma_wait3A_61 = tpu.memref_slice %arg7[%arg0, %mul3A_2, %dma_wait3A_60] : memref<2x10016x16xf32, #tpu.memory_space<hbm>> -> memref<1x626x16xf32, #tpu.memory_space<hbm>>
      %dma_wait3A_62 = tpu.memref_squeeze %dma_wait3A_61 : memref<1x626x16xf32, #tpu.memory_space<hbm>> -> memref<626x16xf32, #tpu.memory_space<hbm>>
      %dma_wait3A_63 = arith.constant 0 : i32
      %dma_wait3A_64 = tpu.memref_slice %arg14[%mul3A_2, %dma_wait3A_63] : memref<10016x16xf32, #tpu.memory_space<vmem_shared>> -> memref<626x16xf32, #tpu.memory_space<vmem_shared>>
      tpu.wait_dma2 semaphore(%run_scoped3A : memref<!tpu.dma_semaphore, #tpu.memory_space<semaphore_mem>>) src(%dma_wait3A_64 : memref<626x16xf32, #tpu.memory_space<vmem_shared>>) dst(%dma_wait3A_62 : memref<626x16xf32, #tpu.memory_space<hbm>>)
      tpu.yield
    }) : () -> ()
    return
  }
}

#map = affine_map<(d0, d1) -> (0, 0)>
#map1 = affine_map<(d0, d1) -> (0, 0, 0)>
module attributes {stable_mosaic.version = 14 : i64} {
  func.func @propagate(%arg0: i32, %arg1: i32, %arg2: memref<10000x128xf32, #tpu.memory_space<hbm>>, %arg3: memref<32x125x80xi32, #tpu.memory_space<hbm>>, %arg4: memref<32x125x80xi32, #tpu.memory_space<hbm>>, %arg5: memref<10016x128xf32, #tpu.memory_space<hbm>>, %arg6: memref<2x10016x128xf32, #tpu.memory_space<hbm>>, %arg7: memref<125x80xi32, #tpu.memory_space<vmem>>, %arg8: memref<125x80xi32, #tpu.memory_space<vmem>>, %arg9: memref<80x128xf32, #tpu.memory_space<vmem>>, %arg10: memref<80x128xf32, #tpu.memory_space<vmem>>, %arg11: memref<80x128xf32, #tpu.memory_space<vmem>>, %arg12: memref<!tpu.dma_semaphore, #tpu.memory_space<semaphore_mem>>, %arg13: memref<!tpu.dma_semaphore, #tpu.memory_space<semaphore_mem>>, %arg14: memref<!tpu.dma_semaphore, #tpu.memory_space<semaphore_mem>>, %arg15: memref<!tpu.dma_semaphore, #tpu.memory_space<semaphore_mem>>, %arg16: memref<10016x128xf32, #tpu.memory_space<vmem_shared>>) attributes {dimension_semantics = [#tpu.dimension_semantics<core_parallel>, #tpu.dimension_semantics<subcore_parallel>], iteration_bounds = array<i64: 2, 16>, scalar_prefetch = 0 : i64, scratch_operands = 10 : i64, tpu.core_type = #tpu.core_type<sc_vector_subcore>, window_params = [{transform_indices = #map}, {transform_indices = #map1}, {transform_indices = #map1}, {transform_indices = #map}, {transform_indices = #map1}]} {
    %mul3A = arith.constant 2 : i32
    %mul3A_0 = arith.muli %arg1, %mul3A : i32
    %add3A = arith.addi %mul3A_0, %arg0 : i32
    %mul3A_1 = arith.constant 626 : i32
    %mul3A_2 = arith.muli %arg1, %mul3A_1 : i32
    %dma_start3A = arith.constant 0 : i32
    %dma_start3A_3 = tpu.memref_slice %arg16[%mul3A_2, %dma_start3A] : memref<10016x128xf32, #tpu.memory_space<vmem_shared>> -> memref<626x128xf32, #tpu.memory_space<vmem_shared>>
    %dma_start3A_4 = arith.constant 0 : i32
    %dma_start3A_5 = tpu.memref_slice %arg5[%mul3A_2, %dma_start3A_4] : memref<10016x128xf32, #tpu.memory_space<hbm>> -> memref<626x128xf32, #tpu.memory_space<hbm>>
    tpu.enqueue_dma source(%dma_start3A_5 : memref<626x128xf32, #tpu.memory_space<hbm>>) target(%dma_start3A_3 : memref<626x128xf32, #tpu.memory_space<vmem_shared>>) target_semaphore(%arg15 : memref<!tpu.dma_semaphore, #tpu.memory_space<semaphore_mem>>)
    %dma_start3A_6 = arith.constant 0 : i32
    %dma_start3A_7 = arith.constant 0 : i32
    %dma_start3A_8 = tpu.memref_slice %arg3[%add3A, %dma_start3A_6, %dma_start3A_7] : memref<32x125x80xi32, #tpu.memory_space<hbm>> -> memref<1x125x80xi32, #tpu.memory_space<hbm>>
    %dma_start3A_9 = tpu.memref_squeeze %dma_start3A_8 : memref<1x125x80xi32, #tpu.memory_space<hbm>> -> memref<125x80xi32, #tpu.memory_space<hbm>>
    %dma_start3A_10 = arith.constant 0 : i32
    %dma_start3A_11 = arith.constant 0 : i32
    %dma_start3A_12 = tpu.memref_slice %arg3[%add3A, %dma_start3A_10, %dma_start3A_11] : memref<32x125x80xi32, #tpu.memory_space<hbm>> -> memref<1x125x80xi32, #tpu.memory_space<hbm>>
    %dma_start3A_13 = tpu.memref_squeeze %dma_start3A_12 : memref<1x125x80xi32, #tpu.memory_space<hbm>> -> memref<125x80xi32, #tpu.memory_space<hbm>>
    tpu.enqueue_dma source(%dma_start3A_13 : memref<125x80xi32, #tpu.memory_space<hbm>>) target(%arg7 : memref<125x80xi32, #tpu.memory_space<vmem>>) target_semaphore(%arg12 : memref<!tpu.dma_semaphore, #tpu.memory_space<semaphore_mem>>)
    %dma_start3A_14 = arith.constant 0 : i32
    %dma_start3A_15 = arith.constant 0 : i32
    %dma_start3A_16 = tpu.memref_slice %arg4[%add3A, %dma_start3A_14, %dma_start3A_15] : memref<32x125x80xi32, #tpu.memory_space<hbm>> -> memref<1x125x80xi32, #tpu.memory_space<hbm>>
    %dma_start3A_17 = tpu.memref_squeeze %dma_start3A_16 : memref<1x125x80xi32, #tpu.memory_space<hbm>> -> memref<125x80xi32, #tpu.memory_space<hbm>>
    %dma_start3A_18 = arith.constant 0 : i32
    %dma_start3A_19 = arith.constant 0 : i32
    %dma_start3A_20 = tpu.memref_slice %arg4[%add3A, %dma_start3A_18, %dma_start3A_19] : memref<32x125x80xi32, #tpu.memory_space<hbm>> -> memref<1x125x80xi32, #tpu.memory_space<hbm>>
    %dma_start3A_21 = tpu.memref_squeeze %dma_start3A_20 : memref<1x125x80xi32, #tpu.memory_space<hbm>> -> memref<125x80xi32, #tpu.memory_space<hbm>>
    tpu.enqueue_dma source(%dma_start3A_21 : memref<125x80xi32, #tpu.memory_space<hbm>>) target(%arg8 : memref<125x80xi32, #tpu.memory_space<vmem>>) target_semaphore(%arg13 : memref<!tpu.dma_semaphore, #tpu.memory_space<semaphore_mem>>)
    %dma_wait3A = arith.constant 0 : i32
    %dma_wait3A_22 = tpu.memref_slice %arg16[%mul3A_2, %dma_wait3A] : memref<10016x128xf32, #tpu.memory_space<vmem_shared>> -> memref<626x128xf32, #tpu.memory_space<vmem_shared>>
    %dma_wait3A_23 = arith.constant 0 : i32
    %dma_wait3A_24 = tpu.memref_slice %arg5[%mul3A_2, %dma_wait3A_23] : memref<10016x128xf32, #tpu.memory_space<hbm>> -> memref<626x128xf32, #tpu.memory_space<hbm>>
    tpu.wait_dma2 semaphore(%arg15 : memref<!tpu.dma_semaphore, #tpu.memory_space<semaphore_mem>>) src(%dma_wait3A_24 : memref<626x128xf32, #tpu.memory_space<hbm>>) dst(%dma_wait3A_22 : memref<626x128xf32, #tpu.memory_space<vmem_shared>>)
    %dma_wait3A_25 = arith.constant 0 : i32
    %dma_wait3A_26 = arith.constant 0 : i32
    %dma_wait3A_27 = tpu.memref_slice %arg3[%add3A, %dma_wait3A_25, %dma_wait3A_26] : memref<32x125x80xi32, #tpu.memory_space<hbm>> -> memref<1x125x80xi32, #tpu.memory_space<hbm>>
    %dma_wait3A_28 = tpu.memref_squeeze %dma_wait3A_27 : memref<1x125x80xi32, #tpu.memory_space<hbm>> -> memref<125x80xi32, #tpu.memory_space<hbm>>
    %dma_wait3A_29 = arith.constant 0 : i32
    %dma_wait3A_30 = arith.constant 0 : i32
    %dma_wait3A_31 = tpu.memref_slice %arg3[%add3A, %dma_wait3A_29, %dma_wait3A_30] : memref<32x125x80xi32, #tpu.memory_space<hbm>> -> memref<1x125x80xi32, #tpu.memory_space<hbm>>
    %dma_wait3A_32 = tpu.memref_squeeze %dma_wait3A_31 : memref<1x125x80xi32, #tpu.memory_space<hbm>> -> memref<125x80xi32, #tpu.memory_space<hbm>>
    tpu.wait_dma2 semaphore(%arg12 : memref<!tpu.dma_semaphore, #tpu.memory_space<semaphore_mem>>) src(%dma_wait3A_32 : memref<125x80xi32, #tpu.memory_space<hbm>>) dst(%arg7 : memref<125x80xi32, #tpu.memory_space<vmem>>)
    %dma_wait3A_33 = arith.constant 0 : i32
    %dma_wait3A_34 = arith.constant 0 : i32
    %dma_wait3A_35 = tpu.memref_slice %arg4[%add3A, %dma_wait3A_33, %dma_wait3A_34] : memref<32x125x80xi32, #tpu.memory_space<hbm>> -> memref<1x125x80xi32, #tpu.memory_space<hbm>>
    %dma_wait3A_36 = tpu.memref_squeeze %dma_wait3A_35 : memref<1x125x80xi32, #tpu.memory_space<hbm>> -> memref<125x80xi32, #tpu.memory_space<hbm>>
    %dma_wait3A_37 = arith.constant 0 : i32
    %dma_wait3A_38 = arith.constant 0 : i32
    %dma_wait3A_39 = tpu.memref_slice %arg4[%add3A, %dma_wait3A_37, %dma_wait3A_38] : memref<32x125x80xi32, #tpu.memory_space<hbm>> -> memref<1x125x80xi32, #tpu.memory_space<hbm>>
    %dma_wait3A_40 = tpu.memref_squeeze %dma_wait3A_39 : memref<1x125x80xi32, #tpu.memory_space<hbm>> -> memref<125x80xi32, #tpu.memory_space<hbm>>
    tpu.wait_dma2 semaphore(%arg13 : memref<!tpu.dma_semaphore, #tpu.memory_space<semaphore_mem>>) src(%dma_wait3A_40 : memref<125x80xi32, #tpu.memory_space<hbm>>) dst(%arg8 : memref<125x80xi32, #tpu.memory_space<vmem>>)
    %barrier3A = arith.constant 0 : index
    tpu.barrier barrier_id(%barrier3A)
    %dma_start3A_41 = arith.constant 0 : i32
    %dma_start3A_42 = arith.constant 0 : i32
    %dma_start3A_43 = tpu.memref_slice %arg7[%dma_start3A_41, %dma_start3A_42] : memref<125x80xi32, #tpu.memory_space<vmem>> -> memref<1x80xi32, #tpu.memory_space<vmem>>
    %dma_start3A_44 = tpu.memref_squeeze %dma_start3A_43 : memref<1x80xi32, #tpu.memory_space<vmem>> -> memref<80xi32, #tpu.memory_space<vmem>>
    %dma_start3A_45 = arith.constant 0 : i32
    %dma_start3A_46 = arith.constant 0 : i32
    %dma_start3A_47 = tpu.memref_slice %arg2[%dma_start3A_45, %dma_start3A_46] : memref<10000x128xf32, #tpu.memory_space<hbm>> -> memref<10000x128xf32, #tpu.memory_space<hbm>>
    tpu.enqueue_indirect_dma source(%dma_start3A_47 : memref<10000x128xf32, #tpu.memory_space<hbm>>) target(%arg9 : memref<80x128xf32, #tpu.memory_space<vmem>>) offsets(%dma_start3A_44 : memref<80xi32, #tpu.memory_space<vmem>>) semaphore(%arg12 : memref<!tpu.dma_semaphore, #tpu.memory_space<semaphore_mem>>)
    %dma_start3A_48 = arith.constant 1 : i32
    %dma_start3A_49 = arith.constant 0 : i32
    %dma_start3A_50 = tpu.memref_slice %arg7[%dma_start3A_48, %dma_start3A_49] : memref<125x80xi32, #tpu.memory_space<vmem>> -> memref<1x80xi32, #tpu.memory_space<vmem>>
    %dma_start3A_51 = tpu.memref_squeeze %dma_start3A_50 : memref<1x80xi32, #tpu.memory_space<vmem>> -> memref<80xi32, #tpu.memory_space<vmem>>
    %dma_start3A_52 = arith.constant 0 : i32
    %dma_start3A_53 = arith.constant 0 : i32
    %dma_start3A_54 = tpu.memref_slice %arg2[%dma_start3A_52, %dma_start3A_53] : memref<10000x128xf32, #tpu.memory_space<hbm>> -> memref<10000x128xf32, #tpu.memory_space<hbm>>
    tpu.enqueue_indirect_dma source(%dma_start3A_54 : memref<10000x128xf32, #tpu.memory_space<hbm>>) target(%arg10 : memref<80x128xf32, #tpu.memory_space<vmem>>) offsets(%dma_start3A_51 : memref<80xi32, #tpu.memory_space<vmem>>) semaphore(%arg13 : memref<!tpu.dma_semaphore, #tpu.memory_space<semaphore_mem>>)
    %scan3A = arith.constant 0 : i32
    %scan3A_55 = arith.constant 0 : i32
    %scan3A_56 = arith.constant 125 : i32
    %scan3A_57 = arith.addi %scan3A_55, %scan3A_56 : i32
    %scan3A_58 = arith.constant 1 : i32
    %scan3A_59 = scf.for %scan3A_69 = %scan3A_55 to %scan3A_57 step %scan3A_58 iter_args(%scan3A_70 = %scan3A) -> (i32)  : i32 {
      %rem3A = arith.constant 3 : i32
      %rem3A_71 = arith.remsi %scan3A_69, %rem3A : i32
      %eq3A = arith.constant 0 : i32
      %eq3A_72 = arith.cmpi eq, %rem3A_71, %eq3A : i32
      %convert_element_type3A = arith.extui %eq3A_72 : i1 to i32
      %cond3A = arith.constant 0 : i32
      %cond3A_73 = arith.cmpi ne, %convert_element_type3A, %cond3A : i32
      scf.if %cond3A_73 {
        %dma_wait3A_89 = arith.constant 0 : i32
        %dma_wait3A_90 = tpu.memref_slice %arg7[%scan3A_69, %dma_wait3A_89] : memref<125x80xi32, #tpu.memory_space<vmem>> -> memref<1x80xi32, #tpu.memory_space<vmem>>
        %dma_wait3A_91 = tpu.memref_squeeze %dma_wait3A_90 : memref<1x80xi32, #tpu.memory_space<vmem>> -> memref<80xi32, #tpu.memory_space<vmem>>
        %dma_wait3A_92 = arith.constant 0 : i32
        %dma_wait3A_93 = arith.constant 0 : i32
        %dma_wait3A_94 = tpu.memref_slice %arg2[%dma_wait3A_92, %dma_wait3A_93] : memref<10000x128xf32, #tpu.memory_space<hbm>> -> memref<10000x128xf32, #tpu.memory_space<hbm>>
        tpu.wait_indirect_dma semaphore(%arg12 : memref<!tpu.dma_semaphore, #tpu.memory_space<semaphore_mem>>) src(%dma_wait3A_94 : memref<10000x128xf32, #tpu.memory_space<hbm>>) dst(%arg9 : memref<80x128xf32, #tpu.memory_space<vmem>>)
        %gt3A = arith.constant 0 : i32
        %gt3A_95 = arith.cmpi sgt, %scan3A_69, %gt3A : i32
        %convert_element_type3A_96 = arith.extui %gt3A_95 : i1 to i32
        %cond3A_97 = arith.constant 0 : i32
        %cond3A_98 = arith.cmpi ne, %convert_element_type3A_96, %cond3A_97 : i32
        scf.if %cond3A_98 {
          %sub3A = arith.constant 1 : i32
          %sub3A_111 = arith.subi %scan3A_69, %sub3A : i32
          %dma_wait3A_112 = arith.constant 0 : i32
          %dma_wait3A_113 = tpu.memref_slice %arg8[%sub3A_111, %dma_wait3A_112] : memref<125x80xi32, #tpu.memory_space<vmem>> -> memref<1x80xi32, #tpu.memory_space<vmem>>
          %dma_wait3A_114 = tpu.memref_squeeze %dma_wait3A_113 : memref<1x80xi32, #tpu.memory_space<vmem>> -> memref<80xi32, #tpu.memory_space<vmem>>
          %dma_wait3A_115 = arith.constant 0 : i32
          %dma_wait3A_116 = arith.constant 0 : i32
          %dma_wait3A_117 = tpu.memref_slice %arg16[%dma_wait3A_115, %dma_wait3A_116] : memref<10016x128xf32, #tpu.memory_space<vmem_shared>> -> memref<10016x128xf32, #tpu.memory_space<vmem_shared>>
          tpu.wait_indirect_dma semaphore(%arg15 : memref<!tpu.dma_semaphore, #tpu.memory_space<semaphore_mem>>) src(%arg11 : memref<80x128xf32, #tpu.memory_space<vmem>>) dst(%dma_wait3A_117 : memref<10016x128xf32, #tpu.memory_space<vmem_shared>>)
        } else {
        }
        %add3A_99 = arith.constant 2 : i32
        %add3A_100 = arith.addi %scan3A_69, %add3A_99 : i32
        %lt3A = arith.constant 125 : i32
        %lt3A_101 = arith.cmpi slt, %add3A_100, %lt3A : i32
        %convert_element_type3A_102 = arith.extui %lt3A_101 : i1 to i32
        %cond3A_103 = arith.constant 0 : i32
        %cond3A_104 = arith.cmpi ne, %convert_element_type3A_102, %cond3A_103 : i32
        scf.if %cond3A_104 {
          %add3A_111 = arith.constant 2 : i32
          %add3A_112 = arith.addi %scan3A_69, %add3A_111 : i32
          %dma_start3A_113 = arith.constant 0 : i32
          %dma_start3A_114 = tpu.memref_slice %arg7[%add3A_112, %dma_start3A_113] : memref<125x80xi32, #tpu.memory_space<vmem>> -> memref<1x80xi32, #tpu.memory_space<vmem>>
          %dma_start3A_115 = tpu.memref_squeeze %dma_start3A_114 : memref<1x80xi32, #tpu.memory_space<vmem>> -> memref<80xi32, #tpu.memory_space<vmem>>
          %dma_start3A_116 = arith.constant 0 : i32
          %dma_start3A_117 = arith.constant 0 : i32
          %dma_start3A_118 = tpu.memref_slice %arg2[%dma_start3A_116, %dma_start3A_117] : memref<10000x128xf32, #tpu.memory_space<hbm>> -> memref<10000x128xf32, #tpu.memory_space<hbm>>
          tpu.enqueue_indirect_dma source(%dma_start3A_118 : memref<10000x128xf32, #tpu.memory_space<hbm>>) target(%arg11 : memref<80x128xf32, #tpu.memory_space<vmem>>) offsets(%dma_start3A_115 : memref<80xi32, #tpu.memory_space<vmem>>) semaphore(%arg14 : memref<!tpu.dma_semaphore, #tpu.memory_space<semaphore_mem>>)
        } else {
        }
        %dma_start3A_105 = arith.constant 0 : i32
        %dma_start3A_106 = tpu.memref_slice %arg8[%scan3A_69, %dma_start3A_105] : memref<125x80xi32, #tpu.memory_space<vmem>> -> memref<1x80xi32, #tpu.memory_space<vmem>>
        %dma_start3A_107 = tpu.memref_squeeze %dma_start3A_106 : memref<1x80xi32, #tpu.memory_space<vmem>> -> memref<80xi32, #tpu.memory_space<vmem>>
        %dma_start3A_108 = arith.constant 0 : i32
        %dma_start3A_109 = arith.constant 0 : i32
        %dma_start3A_110 = tpu.memref_slice %arg16[%dma_start3A_108, %dma_start3A_109] : memref<10016x128xf32, #tpu.memory_space<vmem_shared>> -> memref<10016x128xf32, #tpu.memory_space<vmem_shared>>
        tpu.enqueue_indirect_dma source(%arg9 : memref<80x128xf32, #tpu.memory_space<vmem>>) target(%dma_start3A_110 : memref<10016x128xf32, #tpu.memory_space<vmem_shared>>) offsets(%dma_start3A_107 : memref<80xi32, #tpu.memory_space<vmem>>) semaphore(%arg15 : memref<!tpu.dma_semaphore, #tpu.memory_space<semaphore_mem>>) {add = true}
      } else {
      }
      %rem3A_74 = arith.constant 3 : i32
      %rem3A_75 = arith.remsi %scan3A_69, %rem3A_74 : i32
      %eq3A_76 = arith.constant 1 : i32
      %eq3A_77 = arith.cmpi eq, %rem3A_75, %eq3A_76 : i32
      %convert_element_type3A_78 = arith.extui %eq3A_77 : i1 to i32
      %cond3A_79 = arith.constant 0 : i32
      %cond3A_80 = arith.cmpi ne, %convert_element_type3A_78, %cond3A_79 : i32
      scf.if %cond3A_80 {
        %dma_wait3A_89 = arith.constant 0 : i32
        %dma_wait3A_90 = tpu.memref_slice %arg7[%scan3A_69, %dma_wait3A_89] : memref<125x80xi32, #tpu.memory_space<vmem>> -> memref<1x80xi32, #tpu.memory_space<vmem>>
        %dma_wait3A_91 = tpu.memref_squeeze %dma_wait3A_90 : memref<1x80xi32, #tpu.memory_space<vmem>> -> memref<80xi32, #tpu.memory_space<vmem>>
        %dma_wait3A_92 = arith.constant 0 : i32
        %dma_wait3A_93 = arith.constant 0 : i32
        %dma_wait3A_94 = tpu.memref_slice %arg2[%dma_wait3A_92, %dma_wait3A_93] : memref<10000x128xf32, #tpu.memory_space<hbm>> -> memref<10000x128xf32, #tpu.memory_space<hbm>>
        tpu.wait_indirect_dma semaphore(%arg13 : memref<!tpu.dma_semaphore, #tpu.memory_space<semaphore_mem>>) src(%dma_wait3A_94 : memref<10000x128xf32, #tpu.memory_space<hbm>>) dst(%arg10 : memref<80x128xf32, #tpu.memory_space<vmem>>)
        %gt3A = arith.constant 0 : i32
        %gt3A_95 = arith.cmpi sgt, %scan3A_69, %gt3A : i32
        %convert_element_type3A_96 = arith.extui %gt3A_95 : i1 to i32
        %cond3A_97 = arith.constant 0 : i32
        %cond3A_98 = arith.cmpi ne, %convert_element_type3A_96, %cond3A_97 : i32
        scf.if %cond3A_98 {
          %sub3A = arith.constant 1 : i32
          %sub3A_111 = arith.subi %scan3A_69, %sub3A : i32
          %dma_wait3A_112 = arith.constant 0 : i32
          %dma_wait3A_113 = tpu.memref_slice %arg8[%sub3A_111, %dma_wait3A_112] : memref<125x80xi32, #tpu.memory_space<vmem>> -> memref<1x80xi32, #tpu.memory_space<vmem>>
          %dma_wait3A_114 = tpu.memref_squeeze %dma_wait3A_113 : memref<1x80xi32, #tpu.memory_space<vmem>> -> memref<80xi32, #tpu.memory_space<vmem>>
          %dma_wait3A_115 = arith.constant 0 : i32
          %dma_wait3A_116 = arith.constant 0 : i32
          %dma_wait3A_117 = tpu.memref_slice %arg16[%dma_wait3A_115, %dma_wait3A_116] : memref<10016x128xf32, #tpu.memory_space<vmem_shared>> -> memref<10016x128xf32, #tpu.memory_space<vmem_shared>>
          tpu.wait_indirect_dma semaphore(%arg15 : memref<!tpu.dma_semaphore, #tpu.memory_space<semaphore_mem>>) src(%arg9 : memref<80x128xf32, #tpu.memory_space<vmem>>) dst(%dma_wait3A_117 : memref<10016x128xf32, #tpu.memory_space<vmem_shared>>)
        } else {
        }
        %add3A_99 = arith.constant 2 : i32
        %add3A_100 = arith.addi %scan3A_69, %add3A_99 : i32
        %lt3A = arith.constant 125 : i32
        %lt3A_101 = arith.cmpi slt, %add3A_100, %lt3A : i32
        %convert_element_type3A_102 = arith.extui %lt3A_101 : i1 to i32
        %cond3A_103 = arith.constant 0 : i32
        %cond3A_104 = arith.cmpi ne, %convert_element_type3A_102, %cond3A_103 : i32
        scf.if %cond3A_104 {
          %add3A_111 = arith.constant 2 : i32
          %add3A_112 = arith.addi %scan3A_69, %add3A_111 : i32
          %dma_start3A_113 = arith.constant 0 : i32
          %dma_start3A_114 = tpu.memref_slice %arg7[%add3A_112, %dma_start3A_113] : memref<125x80xi32, #tpu.memory_space<vmem>> -> memref<1x80xi32, #tpu.memory_space<vmem>>
          %dma_start3A_115 = tpu.memref_squeeze %dma_start3A_114 : memref<1x80xi32, #tpu.memory_space<vmem>> -> memref<80xi32, #tpu.memory_space<vmem>>
          %dma_start3A_116 = arith.constant 0 : i32
          %dma_start3A_117 = arith.constant 0 : i32
          %dma_start3A_118 = tpu.memref_slice %arg2[%dma_start3A_116, %dma_start3A_117] : memref<10000x128xf32, #tpu.memory_space<hbm>> -> memref<10000x128xf32, #tpu.memory_space<hbm>>
          tpu.enqueue_indirect_dma source(%dma_start3A_118 : memref<10000x128xf32, #tpu.memory_space<hbm>>) target(%arg9 : memref<80x128xf32, #tpu.memory_space<vmem>>) offsets(%dma_start3A_115 : memref<80xi32, #tpu.memory_space<vmem>>) semaphore(%arg12 : memref<!tpu.dma_semaphore, #tpu.memory_space<semaphore_mem>>)
        } else {
        }
        %dma_start3A_105 = arith.constant 0 : i32
        %dma_start3A_106 = tpu.memref_slice %arg8[%scan3A_69, %dma_start3A_105] : memref<125x80xi32, #tpu.memory_space<vmem>> -> memref<1x80xi32, #tpu.memory_space<vmem>>
        %dma_start3A_107 = tpu.memref_squeeze %dma_start3A_106 : memref<1x80xi32, #tpu.memory_space<vmem>> -> memref<80xi32, #tpu.memory_space<vmem>>
        %dma_start3A_108 = arith.constant 0 : i32
        %dma_start3A_109 = arith.constant 0 : i32
        %dma_start3A_110 = tpu.memref_slice %arg16[%dma_start3A_108, %dma_start3A_109] : memref<10016x128xf32, #tpu.memory_space<vmem_shared>> -> memref<10016x128xf32, #tpu.memory_space<vmem_shared>>
        tpu.enqueue_indirect_dma source(%arg10 : memref<80x128xf32, #tpu.memory_space<vmem>>) target(%dma_start3A_110 : memref<10016x128xf32, #tpu.memory_space<vmem_shared>>) offsets(%dma_start3A_107 : memref<80xi32, #tpu.memory_space<vmem>>) semaphore(%arg15 : memref<!tpu.dma_semaphore, #tpu.memory_space<semaphore_mem>>) {add = true}
      } else {
      }
      %rem3A_81 = arith.constant 3 : i32
      %rem3A_82 = arith.remsi %scan3A_69, %rem3A_81 : i32
      %eq3A_83 = arith.constant 2 : i32
      %eq3A_84 = arith.cmpi eq, %rem3A_82, %eq3A_83 : i32
      %convert_element_type3A_85 = arith.extui %eq3A_84 : i1 to i32
      %cond3A_86 = arith.constant 0 : i32
      %cond3A_87 = arith.cmpi ne, %convert_element_type3A_85, %cond3A_86 : i32
      scf.if %cond3A_87 {
        %dma_wait3A_89 = arith.constant 0 : i32
        %dma_wait3A_90 = tpu.memref_slice %arg7[%scan3A_69, %dma_wait3A_89] : memref<125x80xi32, #tpu.memory_space<vmem>> -> memref<1x80xi32, #tpu.memory_space<vmem>>
        %dma_wait3A_91 = tpu.memref_squeeze %dma_wait3A_90 : memref<1x80xi32, #tpu.memory_space<vmem>> -> memref<80xi32, #tpu.memory_space<vmem>>
        %dma_wait3A_92 = arith.constant 0 : i32
        %dma_wait3A_93 = arith.constant 0 : i32
        %dma_wait3A_94 = tpu.memref_slice %arg2[%dma_wait3A_92, %dma_wait3A_93] : memref<10000x128xf32, #tpu.memory_space<hbm>> -> memref<10000x128xf32, #tpu.memory_space<hbm>>
        tpu.wait_indirect_dma semaphore(%arg14 : memref<!tpu.dma_semaphore, #tpu.memory_space<semaphore_mem>>) src(%dma_wait3A_94 : memref<10000x128xf32, #tpu.memory_space<hbm>>) dst(%arg11 : memref<80x128xf32, #tpu.memory_space<vmem>>)
        %gt3A = arith.constant 0 : i32
        %gt3A_95 = arith.cmpi sgt, %scan3A_69, %gt3A : i32
        %convert_element_type3A_96 = arith.extui %gt3A_95 : i1 to i32
        %cond3A_97 = arith.constant 0 : i32
        %cond3A_98 = arith.cmpi ne, %convert_element_type3A_96, %cond3A_97 : i32
        scf.if %cond3A_98 {
          %sub3A = arith.constant 1 : i32
          %sub3A_111 = arith.subi %scan3A_69, %sub3A : i32
          %dma_wait3A_112 = arith.constant 0 : i32
          %dma_wait3A_113 = tpu.memref_slice %arg8[%sub3A_111, %dma_wait3A_112] : memref<125x80xi32, #tpu.memory_space<vmem>> -> memref<1x80xi32, #tpu.memory_space<vmem>>
          %dma_wait3A_114 = tpu.memref_squeeze %dma_wait3A_113 : memref<1x80xi32, #tpu.memory_space<vmem>> -> memref<80xi32, #tpu.memory_space<vmem>>
          %dma_wait3A_115 = arith.constant 0 : i32
          %dma_wait3A_116 = arith.constant 0 : i32
          %dma_wait3A_117 = tpu.memref_slice %arg16[%dma_wait3A_115, %dma_wait3A_116] : memref<10016x128xf32, #tpu.memory_space<vmem_shared>> -> memref<10016x128xf32, #tpu.memory_space<vmem_shared>>
          tpu.wait_indirect_dma semaphore(%arg15 : memref<!tpu.dma_semaphore, #tpu.memory_space<semaphore_mem>>) src(%arg10 : memref<80x128xf32, #tpu.memory_space<vmem>>) dst(%dma_wait3A_117 : memref<10016x128xf32, #tpu.memory_space<vmem_shared>>)
        } else {
        }
        %add3A_99 = arith.constant 2 : i32
        %add3A_100 = arith.addi %scan3A_69, %add3A_99 : i32
        %lt3A = arith.constant 125 : i32
        %lt3A_101 = arith.cmpi slt, %add3A_100, %lt3A : i32
        %convert_element_type3A_102 = arith.extui %lt3A_101 : i1 to i32
        %cond3A_103 = arith.constant 0 : i32
        %cond3A_104 = arith.cmpi ne, %convert_element_type3A_102, %cond3A_103 : i32
        scf.if %cond3A_104 {
          %add3A_111 = arith.constant 2 : i32
          %add3A_112 = arith.addi %scan3A_69, %add3A_111 : i32
          %dma_start3A_113 = arith.constant 0 : i32
          %dma_start3A_114 = tpu.memref_slice %arg7[%add3A_112, %dma_start3A_113] : memref<125x80xi32, #tpu.memory_space<vmem>> -> memref<1x80xi32, #tpu.memory_space<vmem>>
          %dma_start3A_115 = tpu.memref_squeeze %dma_start3A_114 : memref<1x80xi32, #tpu.memory_space<vmem>> -> memref<80xi32, #tpu.memory_space<vmem>>
          %dma_start3A_116 = arith.constant 0 : i32
          %dma_start3A_117 = arith.constant 0 : i32
          %dma_start3A_118 = tpu.memref_slice %arg2[%dma_start3A_116, %dma_start3A_117] : memref<10000x128xf32, #tpu.memory_space<hbm>> -> memref<10000x128xf32, #tpu.memory_space<hbm>>
          tpu.enqueue_indirect_dma source(%dma_start3A_118 : memref<10000x128xf32, #tpu.memory_space<hbm>>) target(%arg10 : memref<80x128xf32, #tpu.memory_space<vmem>>) offsets(%dma_start3A_115 : memref<80xi32, #tpu.memory_space<vmem>>) semaphore(%arg13 : memref<!tpu.dma_semaphore, #tpu.memory_space<semaphore_mem>>)
        } else {
        }
        %dma_start3A_105 = arith.constant 0 : i32
        %dma_start3A_106 = tpu.memref_slice %arg8[%scan3A_69, %dma_start3A_105] : memref<125x80xi32, #tpu.memory_space<vmem>> -> memref<1x80xi32, #tpu.memory_space<vmem>>
        %dma_start3A_107 = tpu.memref_squeeze %dma_start3A_106 : memref<1x80xi32, #tpu.memory_space<vmem>> -> memref<80xi32, #tpu.memory_space<vmem>>
        %dma_start3A_108 = arith.constant 0 : i32
        %dma_start3A_109 = arith.constant 0 : i32
        %dma_start3A_110 = tpu.memref_slice %arg16[%dma_start3A_108, %dma_start3A_109] : memref<10016x128xf32, #tpu.memory_space<vmem_shared>> -> memref<10016x128xf32, #tpu.memory_space<vmem_shared>>
        tpu.enqueue_indirect_dma source(%arg11 : memref<80x128xf32, #tpu.memory_space<vmem>>) target(%dma_start3A_110 : memref<10016x128xf32, #tpu.memory_space<vmem_shared>>) offsets(%dma_start3A_107 : memref<80xi32, #tpu.memory_space<vmem>>) semaphore(%arg15 : memref<!tpu.dma_semaphore, #tpu.memory_space<semaphore_mem>>) {add = true}
      } else {
      }
      %scan3A_88 = arith.constant 0 : i32
      scf.yield %scan3A_88 : i32
    }
    %scan3A_60 = arith.constant 125 : i32
    %dma_wait3A_61 = arith.constant 124 : i32
    %dma_wait3A_62 = arith.constant 0 : i32
    %dma_wait3A_63 = tpu.memref_slice %arg8[%dma_wait3A_61, %dma_wait3A_62] : memref<125x80xi32, #tpu.memory_space<vmem>> -> memref<1x80xi32, #tpu.memory_space<vmem>>
    %dma_wait3A_64 = tpu.memref_squeeze %dma_wait3A_63 : memref<1x80xi32, #tpu.memory_space<vmem>> -> memref<80xi32, #tpu.memory_space<vmem>>
    %dma_wait3A_65 = arith.constant 0 : i32
    %dma_wait3A_66 = arith.constant 0 : i32
    %dma_wait3A_67 = tpu.memref_slice %arg16[%dma_wait3A_65, %dma_wait3A_66] : memref<10016x128xf32, #tpu.memory_space<vmem_shared>> -> memref<10016x128xf32, #tpu.memory_space<vmem_shared>>
    tpu.wait_indirect_dma semaphore(%arg15 : memref<!tpu.dma_semaphore, #tpu.memory_space<semaphore_mem>>) src(%arg10 : memref<80x128xf32, #tpu.memory_space<vmem>>) dst(%dma_wait3A_67 : memref<10016x128xf32, #tpu.memory_space<vmem_shared>>)
    %barrier3A_68 = arith.constant 0 : index
    tpu.barrier barrier_id(%barrier3A_68)
    "tpu.region"() ({
      %run_scoped3A = tpu.sem_alloc : memref<!tpu.dma_semaphore, #tpu.memory_space<semaphore_mem>>
      %dma_start3A_69 = arith.constant 0 : i32
      %dma_start3A_70 = tpu.memref_slice %arg6[%arg0, %mul3A_2, %dma_start3A_69] : memref<2x10016x128xf32, #tpu.memory_space<hbm>> -> memref<1x626x128xf32, #tpu.memory_space<hbm>>
      %dma_start3A_71 = tpu.memref_squeeze %dma_start3A_70 : memref<1x626x128xf32, #tpu.memory_space<hbm>> -> memref<626x128xf32, #tpu.memory_space<hbm>>
      %dma_start3A_72 = arith.constant 0 : i32
      %dma_start3A_73 = tpu.memref_slice %arg16[%mul3A_2, %dma_start3A_72] : memref<10016x128xf32, #tpu.memory_space<vmem_shared>> -> memref<626x128xf32, #tpu.memory_space<vmem_shared>>
      tpu.enqueue_dma source(%dma_start3A_73 : memref<626x128xf32, #tpu.memory_space<vmem_shared>>) target(%dma_start3A_71 : memref<626x128xf32, #tpu.memory_space<hbm>>) target_semaphore(%run_scoped3A : memref<!tpu.dma_semaphore, #tpu.memory_space<semaphore_mem>>)
      %dma_wait3A_74 = arith.constant 0 : i32
      %dma_wait3A_75 = tpu.memref_slice %arg6[%arg0, %mul3A_2, %dma_wait3A_74] : memref<2x10016x128xf32, #tpu.memory_space<hbm>> -> memref<1x626x128xf32, #tpu.memory_space<hbm>>
      %dma_wait3A_76 = tpu.memref_squeeze %dma_wait3A_75 : memref<1x626x128xf32, #tpu.memory_space<hbm>> -> memref<626x128xf32, #tpu.memory_space<hbm>>
      %dma_wait3A_77 = arith.constant 0 : i32
      %dma_wait3A_78 = tpu.memref_slice %arg16[%mul3A_2, %dma_wait3A_77] : memref<10016x128xf32, #tpu.memory_space<vmem_shared>> -> memref<626x128xf32, #tpu.memory_space<vmem_shared>>
      tpu.wait_dma2 semaphore(%run_scoped3A : memref<!tpu.dma_semaphore, #tpu.memory_space<semaphore_mem>>) src(%dma_wait3A_78 : memref<626x128xf32, #tpu.memory_space<vmem_shared>>) dst(%dma_wait3A_76 : memref<626x128xf32, #tpu.memory_space<hbm>>)
      tpu.yield
    }) : () -> ()
    return
  }
}

#map = affine_map<(d0, d1) -> (0, 0)>
#map1 = affine_map<(d0, d1) -> (0, 0, 0)>
module attributes {stable_mosaic.version = 14 : i64} {
  func.func @propagate(%arg0: i32, %arg1: i32, %arg2: memref<10000x128xf32, #tpu.memory_space<hbm>>, %arg3: memref<32x125x80xi32, #tpu.memory_space<hbm>>, %arg4: memref<32x125x80xi32, #tpu.memory_space<hbm>>, %arg5: memref<10016x128xf32, #tpu.memory_space<hbm>>, %arg6: memref<2x10016x128xf32, #tpu.memory_space<hbm>>, %arg7: memref<125x80xi32, #tpu.memory_space<vmem>>, %arg8: memref<125x80xi32, #tpu.memory_space<vmem>>, %arg9: memref<80x128xf32, #tpu.memory_space<vmem>>, %arg10: memref<80x128xf32, #tpu.memory_space<vmem>>, %arg11: memref<80x128xf32, #tpu.memory_space<vmem>>, %arg12: memref<!tpu.dma_semaphore, #tpu.memory_space<semaphore_mem>>, %arg13: memref<!tpu.dma_semaphore, #tpu.memory_space<semaphore_mem>>, %arg14: memref<!tpu.dma_semaphore, #tpu.memory_space<semaphore_mem>>, %arg15: memref<!tpu.dma_semaphore, #tpu.memory_space<semaphore_mem>>, %arg16: memref<10016x128xf32, #tpu.memory_space<vmem_shared>>) attributes {dimension_semantics = [#tpu.dimension_semantics<core_parallel>, #tpu.dimension_semantics<subcore_parallel>], iteration_bounds = array<i64: 2, 16>, scalar_prefetch = 0 : i64, scratch_operands = 10 : i64, tpu.core_type = #tpu.core_type<sc_vector_subcore>, window_params = [{transform_indices = #map}, {transform_indices = #map1}, {transform_indices = #map1}, {transform_indices = #map}, {transform_indices = #map1}]} {
    %mul3A = arith.constant 2 : i32
    %mul3A_0 = arith.muli %arg1, %mul3A : i32
    %add3A = arith.addi %mul3A_0, %arg0 : i32
    %mul3A_1 = arith.constant 626 : i32
    %mul3A_2 = arith.muli %arg1, %mul3A_1 : i32
    %dma_start3A = arith.constant 0 : i32
    %dma_start3A_3 = tpu.memref_slice %arg16[%mul3A_2, %dma_start3A] : memref<10016x128xf32, #tpu.memory_space<vmem_shared>> -> memref<626x128xf32, #tpu.memory_space<vmem_shared>>
    %dma_start3A_4 = arith.constant 0 : i32
    %dma_start3A_5 = tpu.memref_slice %arg5[%mul3A_2, %dma_start3A_4] : memref<10016x128xf32, #tpu.memory_space<hbm>> -> memref<626x128xf32, #tpu.memory_space<hbm>>
    tpu.enqueue_dma source(%dma_start3A_5 : memref<626x128xf32, #tpu.memory_space<hbm>>) target(%dma_start3A_3 : memref<626x128xf32, #tpu.memory_space<vmem_shared>>) target_semaphore(%arg15 : memref<!tpu.dma_semaphore, #tpu.memory_space<semaphore_mem>>)
    %dma_start3A_6 = arith.constant 0 : i32
    %dma_start3A_7 = arith.constant 0 : i32
    %dma_start3A_8 = tpu.memref_slice %arg3[%add3A, %dma_start3A_6, %dma_start3A_7] : memref<32x125x80xi32, #tpu.memory_space<hbm>> -> memref<1x125x80xi32, #tpu.memory_space<hbm>>
    %dma_start3A_9 = tpu.memref_squeeze %dma_start3A_8 : memref<1x125x80xi32, #tpu.memory_space<hbm>> -> memref<125x80xi32, #tpu.memory_space<hbm>>
    %dma_start3A_10 = arith.constant 0 : i32
    %dma_start3A_11 = arith.constant 0 : i32
    %dma_start3A_12 = tpu.memref_slice %arg3[%add3A, %dma_start3A_10, %dma_start3A_11] : memref<32x125x80xi32, #tpu.memory_space<hbm>> -> memref<1x125x80xi32, #tpu.memory_space<hbm>>
    %dma_start3A_13 = tpu.memref_squeeze %dma_start3A_12 : memref<1x125x80xi32, #tpu.memory_space<hbm>> -> memref<125x80xi32, #tpu.memory_space<hbm>>
    tpu.enqueue_dma source(%dma_start3A_13 : memref<125x80xi32, #tpu.memory_space<hbm>>) target(%arg7 : memref<125x80xi32, #tpu.memory_space<vmem>>) target_semaphore(%arg12 : memref<!tpu.dma_semaphore, #tpu.memory_space<semaphore_mem>>)
    %dma_start3A_14 = arith.constant 0 : i32
    %dma_start3A_15 = arith.constant 0 : i32
    %dma_start3A_16 = tpu.memref_slice %arg4[%add3A, %dma_start3A_14, %dma_start3A_15] : memref<32x125x80xi32, #tpu.memory_space<hbm>> -> memref<1x125x80xi32, #tpu.memory_space<hbm>>
    %dma_start3A_17 = tpu.memref_squeeze %dma_start3A_16 : memref<1x125x80xi32, #tpu.memory_space<hbm>> -> memref<125x80xi32, #tpu.memory_space<hbm>>
    %dma_start3A_18 = arith.constant 0 : i32
    %dma_start3A_19 = arith.constant 0 : i32
    %dma_start3A_20 = tpu.memref_slice %arg4[%add3A, %dma_start3A_18, %dma_start3A_19] : memref<32x125x80xi32, #tpu.memory_space<hbm>> -> memref<1x125x80xi32, #tpu.memory_space<hbm>>
    %dma_start3A_21 = tpu.memref_squeeze %dma_start3A_20 : memref<1x125x80xi32, #tpu.memory_space<hbm>> -> memref<125x80xi32, #tpu.memory_space<hbm>>
    tpu.enqueue_dma source(%dma_start3A_21 : memref<125x80xi32, #tpu.memory_space<hbm>>) target(%arg8 : memref<125x80xi32, #tpu.memory_space<vmem>>) target_semaphore(%arg13 : memref<!tpu.dma_semaphore, #tpu.memory_space<semaphore_mem>>)
    %dma_wait3A = arith.constant 0 : i32
    %dma_wait3A_22 = tpu.memref_slice %arg16[%mul3A_2, %dma_wait3A] : memref<10016x128xf32, #tpu.memory_space<vmem_shared>> -> memref<626x128xf32, #tpu.memory_space<vmem_shared>>
    %dma_wait3A_23 = arith.constant 0 : i32
    %dma_wait3A_24 = tpu.memref_slice %arg5[%mul3A_2, %dma_wait3A_23] : memref<10016x128xf32, #tpu.memory_space<hbm>> -> memref<626x128xf32, #tpu.memory_space<hbm>>
    tpu.wait_dma2 semaphore(%arg15 : memref<!tpu.dma_semaphore, #tpu.memory_space<semaphore_mem>>) src(%dma_wait3A_24 : memref<626x128xf32, #tpu.memory_space<hbm>>) dst(%dma_wait3A_22 : memref<626x128xf32, #tpu.memory_space<vmem_shared>>)
    %dma_wait3A_25 = arith.constant 0 : i32
    %dma_wait3A_26 = arith.constant 0 : i32
    %dma_wait3A_27 = tpu.memref_slice %arg3[%add3A, %dma_wait3A_25, %dma_wait3A_26] : memref<32x125x80xi32, #tpu.memory_space<hbm>> -> memref<1x125x80xi32, #tpu.memory_space<hbm>>
    %dma_wait3A_28 = tpu.memref_squeeze %dma_wait3A_27 : memref<1x125x80xi32, #tpu.memory_space<hbm>> -> memref<125x80xi32, #tpu.memory_space<hbm>>
    %dma_wait3A_29 = arith.constant 0 : i32
    %dma_wait3A_30 = arith.constant 0 : i32
    %dma_wait3A_31 = tpu.memref_slice %arg3[%add3A, %dma_wait3A_29, %dma_wait3A_30] : memref<32x125x80xi32, #tpu.memory_space<hbm>> -> memref<1x125x80xi32, #tpu.memory_space<hbm>>
    %dma_wait3A_32 = tpu.memref_squeeze %dma_wait3A_31 : memref<1x125x80xi32, #tpu.memory_space<hbm>> -> memref<125x80xi32, #tpu.memory_space<hbm>>
    tpu.wait_dma2 semaphore(%arg12 : memref<!tpu.dma_semaphore, #tpu.memory_space<semaphore_mem>>) src(%dma_wait3A_32 : memref<125x80xi32, #tpu.memory_space<hbm>>) dst(%arg7 : memref<125x80xi32, #tpu.memory_space<vmem>>)
    %dma_wait3A_33 = arith.constant 0 : i32
    %dma_wait3A_34 = arith.constant 0 : i32
    %dma_wait3A_35 = tpu.memref_slice %arg4[%add3A, %dma_wait3A_33, %dma_wait3A_34] : memref<32x125x80xi32, #tpu.memory_space<hbm>> -> memref<1x125x80xi32, #tpu.memory_space<hbm>>
    %dma_wait3A_36 = tpu.memref_squeeze %dma_wait3A_35 : memref<1x125x80xi32, #tpu.memory_space<hbm>> -> memref<125x80xi32, #tpu.memory_space<hbm>>
    %dma_wait3A_37 = arith.constant 0 : i32
    %dma_wait3A_38 = arith.constant 0 : i32
    %dma_wait3A_39 = tpu.memref_slice %arg4[%add3A, %dma_wait3A_37, %dma_wait3A_38] : memref<32x125x80xi32, #tpu.memory_space<hbm>> -> memref<1x125x80xi32, #tpu.memory_space<hbm>>
    %dma_wait3A_40 = tpu.memref_squeeze %dma_wait3A_39 : memref<1x125x80xi32, #tpu.memory_space<hbm>> -> memref<125x80xi32, #tpu.memory_space<hbm>>
    tpu.wait_dma2 semaphore(%arg13 : memref<!tpu.dma_semaphore, #tpu.memory_space<semaphore_mem>>) src(%dma_wait3A_40 : memref<125x80xi32, #tpu.memory_space<hbm>>) dst(%arg8 : memref<125x80xi32, #tpu.memory_space<vmem>>)
    %barrier3A = arith.constant 0 : index
    tpu.barrier barrier_id(%barrier3A)
    %dma_start3A_41 = arith.constant 0 : i32
    %dma_start3A_42 = arith.constant 0 : i32
    %dma_start3A_43 = tpu.memref_slice %arg7[%dma_start3A_41, %dma_start3A_42] : memref<125x80xi32, #tpu.memory_space<vmem>> -> memref<1x80xi32, #tpu.memory_space<vmem>>
    %dma_start3A_44 = tpu.memref_squeeze %dma_start3A_43 : memref<1x80xi32, #tpu.memory_space<vmem>> -> memref<80xi32, #tpu.memory_space<vmem>>
    %dma_start3A_45 = arith.constant 0 : i32
    %dma_start3A_46 = arith.constant 0 : i32
    %dma_start3A_47 = tpu.memref_slice %arg2[%dma_start3A_45, %dma_start3A_46] : memref<10000x128xf32, #tpu.memory_space<hbm>> -> memref<10000x128xf32, #tpu.memory_space<hbm>>
    tpu.enqueue_indirect_dma source(%dma_start3A_47 : memref<10000x128xf32, #tpu.memory_space<hbm>>) target(%arg9 : memref<80x128xf32, #tpu.memory_space<vmem>>) offsets(%dma_start3A_44 : memref<80xi32, #tpu.memory_space<vmem>>) semaphore(%arg12 : memref<!tpu.dma_semaphore, #tpu.memory_space<semaphore_mem>>)
    %dma_start3A_48 = arith.constant 1 : i32
    %dma_start3A_49 = arith.constant 0 : i32
    %dma_start3A_50 = tpu.memref_slice %arg7[%dma_start3A_48, %dma_start3A_49] : memref<125x80xi32, #tpu.memory_space<vmem>> -> memref<1x80xi32, #tpu.memory_space<vmem>>
    %dma_start3A_51 = tpu.memref_squeeze %dma_start3A_50 : memref<1x80xi32, #tpu.memory_space<vmem>> -> memref<80xi32, #tpu.memory_space<vmem>>
    %dma_start3A_52 = arith.constant 0 : i32
    %dma_start3A_53 = arith.constant 0 : i32
    %dma_start3A_54 = tpu.memref_slice %arg2[%dma_start3A_52, %dma_start3A_53] : memref<10000x128xf32, #tpu.memory_space<hbm>> -> memref<10000x128xf32, #tpu.memory_space<hbm>>
    tpu.enqueue_indirect_dma source(%dma_start3A_54 : memref<10000x128xf32, #tpu.memory_space<hbm>>) target(%arg10 : memref<80x128xf32, #tpu.memory_space<vmem>>) offsets(%dma_start3A_51 : memref<80xi32, #tpu.memory_space<vmem>>) semaphore(%arg13 : memref<!tpu.dma_semaphore, #tpu.memory_space<semaphore_mem>>)
    %scan3A = arith.constant 0 : i32
    %scan3A_55 = arith.constant 0 : i32
    %scan3A_56 = arith.constant 125 : i32
    %scan3A_57 = arith.addi %scan3A_55, %scan3A_56 : i32
    %scan3A_58 = arith.constant 1 : i32
    %scan3A_59 = scf.for %scan3A_69 = %scan3A_55 to %scan3A_57 step %scan3A_58 iter_args(%scan3A_70 = %scan3A) -> (i32)  : i32 {
      %rem3A = arith.constant 3 : i32
      %rem3A_71 = arith.remsi %scan3A_69, %rem3A : i32
      %eq3A = arith.constant 0 : i32
      %eq3A_72 = arith.cmpi eq, %rem3A_71, %eq3A : i32
      %convert_element_type3A = arith.extui %eq3A_72 : i1 to i32
      %cond3A = arith.constant 0 : i32
      %cond3A_73 = arith.cmpi ne, %convert_element_type3A, %cond3A : i32
      scf.if %cond3A_73 {
        %dma_wait3A_89 = arith.constant 0 : i32
        %dma_wait3A_90 = tpu.memref_slice %arg7[%scan3A_69, %dma_wait3A_89] : memref<125x80xi32, #tpu.memory_space<vmem>> -> memref<1x80xi32, #tpu.memory_space<vmem>>
        %dma_wait3A_91 = tpu.memref_squeeze %dma_wait3A_90 : memref<1x80xi32, #tpu.memory_space<vmem>> -> memref<80xi32, #tpu.memory_space<vmem>>
        %dma_wait3A_92 = arith.constant 0 : i32
        %dma_wait3A_93 = arith.constant 0 : i32
        %dma_wait3A_94 = tpu.memref_slice %arg2[%dma_wait3A_92, %dma_wait3A_93] : memref<10000x128xf32, #tpu.memory_space<hbm>> -> memref<10000x128xf32, #tpu.memory_space<hbm>>
        tpu.wait_indirect_dma semaphore(%arg12 : memref<!tpu.dma_semaphore, #tpu.memory_space<semaphore_mem>>) src(%dma_wait3A_94 : memref<10000x128xf32, #tpu.memory_space<hbm>>) dst(%arg9 : memref<80x128xf32, #tpu.memory_space<vmem>>)
        %gt3A = arith.constant 0 : i32
        %gt3A_95 = arith.cmpi sgt, %scan3A_69, %gt3A : i32
        %convert_element_type3A_96 = arith.extui %gt3A_95 : i1 to i32
        %cond3A_97 = arith.constant 0 : i32
        %cond3A_98 = arith.cmpi ne, %convert_element_type3A_96, %cond3A_97 : i32
        scf.if %cond3A_98 {
          %sub3A = arith.constant 1 : i32
          %sub3A_111 = arith.subi %scan3A_69, %sub3A : i32
          %dma_wait3A_112 = arith.constant 0 : i32
          %dma_wait3A_113 = tpu.memref_slice %arg8[%sub3A_111, %dma_wait3A_112] : memref<125x80xi32, #tpu.memory_space<vmem>> -> memref<1x80xi32, #tpu.memory_space<vmem>>
          %dma_wait3A_114 = tpu.memref_squeeze %dma_wait3A_113 : memref<1x80xi32, #tpu.memory_space<vmem>> -> memref<80xi32, #tpu.memory_space<vmem>>
          %dma_wait3A_115 = arith.constant 0 : i32
          %dma_wait3A_116 = arith.constant 0 : i32
          %dma_wait3A_117 = tpu.memref_slice %arg16[%dma_wait3A_115, %dma_wait3A_116] : memref<10016x128xf32, #tpu.memory_space<vmem_shared>> -> memref<10016x128xf32, #tpu.memory_space<vmem_shared>>
          tpu.wait_indirect_dma semaphore(%arg15 : memref<!tpu.dma_semaphore, #tpu.memory_space<semaphore_mem>>) src(%arg11 : memref<80x128xf32, #tpu.memory_space<vmem>>) dst(%dma_wait3A_117 : memref<10016x128xf32, #tpu.memory_space<vmem_shared>>)
        } else {
        }
        %add3A_99 = arith.constant 2 : i32
        %add3A_100 = arith.addi %scan3A_69, %add3A_99 : i32
        %lt3A = arith.constant 125 : i32
        %lt3A_101 = arith.cmpi slt, %add3A_100, %lt3A : i32
        %convert_element_type3A_102 = arith.extui %lt3A_101 : i1 to i32
        %cond3A_103 = arith.constant 0 : i32
        %cond3A_104 = arith.cmpi ne, %convert_element_type3A_102, %cond3A_103 : i32
        scf.if %cond3A_104 {
          %add3A_111 = arith.constant 2 : i32
          %add3A_112 = arith.addi %scan3A_69, %add3A_111 : i32
          %dma_start3A_113 = arith.constant 0 : i32
          %dma_start3A_114 = tpu.memref_slice %arg7[%add3A_112, %dma_start3A_113] : memref<125x80xi32, #tpu.memory_space<vmem>> -> memref<1x80xi32, #tpu.memory_space<vmem>>
          %dma_start3A_115 = tpu.memref_squeeze %dma_start3A_114 : memref<1x80xi32, #tpu.memory_space<vmem>> -> memref<80xi32, #tpu.memory_space<vmem>>
          %dma_start3A_116 = arith.constant 0 : i32
          %dma_start3A_117 = arith.constant 0 : i32
          %dma_start3A_118 = tpu.memref_slice %arg2[%dma_start3A_116, %dma_start3A_117] : memref<10000x128xf32, #tpu.memory_space<hbm>> -> memref<10000x128xf32, #tpu.memory_space<hbm>>
          tpu.enqueue_indirect_dma source(%dma_start3A_118 : memref<10000x128xf32, #tpu.memory_space<hbm>>) target(%arg11 : memref<80x128xf32, #tpu.memory_space<vmem>>) offsets(%dma_start3A_115 : memref<80xi32, #tpu.memory_space<vmem>>) semaphore(%arg14 : memref<!tpu.dma_semaphore, #tpu.memory_space<semaphore_mem>>)
        } else {
        }
        %dma_start3A_105 = arith.constant 0 : i32
        %dma_start3A_106 = tpu.memref_slice %arg8[%scan3A_69, %dma_start3A_105] : memref<125x80xi32, #tpu.memory_space<vmem>> -> memref<1x80xi32, #tpu.memory_space<vmem>>
        %dma_start3A_107 = tpu.memref_squeeze %dma_start3A_106 : memref<1x80xi32, #tpu.memory_space<vmem>> -> memref<80xi32, #tpu.memory_space<vmem>>
        %dma_start3A_108 = arith.constant 0 : i32
        %dma_start3A_109 = arith.constant 0 : i32
        %dma_start3A_110 = tpu.memref_slice %arg16[%dma_start3A_108, %dma_start3A_109] : memref<10016x128xf32, #tpu.memory_space<vmem_shared>> -> memref<10016x128xf32, #tpu.memory_space<vmem_shared>>
        tpu.enqueue_indirect_dma source(%arg9 : memref<80x128xf32, #tpu.memory_space<vmem>>) target(%dma_start3A_110 : memref<10016x128xf32, #tpu.memory_space<vmem_shared>>) offsets(%dma_start3A_107 : memref<80xi32, #tpu.memory_space<vmem>>) semaphore(%arg15 : memref<!tpu.dma_semaphore, #tpu.memory_space<semaphore_mem>>) {add = true}
      } else {
      }
      %rem3A_74 = arith.constant 3 : i32
      %rem3A_75 = arith.remsi %scan3A_69, %rem3A_74 : i32
      %eq3A_76 = arith.constant 1 : i32
      %eq3A_77 = arith.cmpi eq, %rem3A_75, %eq3A_76 : i32
      %convert_element_type3A_78 = arith.extui %eq3A_77 : i1 to i32
      %cond3A_79 = arith.constant 0 : i32
      %cond3A_80 = arith.cmpi ne, %convert_element_type3A_78, %cond3A_79 : i32
      scf.if %cond3A_80 {
        %dma_wait3A_89 = arith.constant 0 : i32
        %dma_wait3A_90 = tpu.memref_slice %arg7[%scan3A_69, %dma_wait3A_89] : memref<125x80xi32, #tpu.memory_space<vmem>> -> memref<1x80xi32, #tpu.memory_space<vmem>>
        %dma_wait3A_91 = tpu.memref_squeeze %dma_wait3A_90 : memref<1x80xi32, #tpu.memory_space<vmem>> -> memref<80xi32, #tpu.memory_space<vmem>>
        %dma_wait3A_92 = arith.constant 0 : i32
        %dma_wait3A_93 = arith.constant 0 : i32
        %dma_wait3A_94 = tpu.memref_slice %arg2[%dma_wait3A_92, %dma_wait3A_93] : memref<10000x128xf32, #tpu.memory_space<hbm>> -> memref<10000x128xf32, #tpu.memory_space<hbm>>
        tpu.wait_indirect_dma semaphore(%arg13 : memref<!tpu.dma_semaphore, #tpu.memory_space<semaphore_mem>>) src(%dma_wait3A_94 : memref<10000x128xf32, #tpu.memory_space<hbm>>) dst(%arg10 : memref<80x128xf32, #tpu.memory_space<vmem>>)
        %gt3A = arith.constant 0 : i32
        %gt3A_95 = arith.cmpi sgt, %scan3A_69, %gt3A : i32
        %convert_element_type3A_96 = arith.extui %gt3A_95 : i1 to i32
        %cond3A_97 = arith.constant 0 : i32
        %cond3A_98 = arith.cmpi ne, %convert_element_type3A_96, %cond3A_97 : i32
        scf.if %cond3A_98 {
          %sub3A = arith.constant 1 : i32
          %sub3A_111 = arith.subi %scan3A_69, %sub3A : i32
          %dma_wait3A_112 = arith.constant 0 : i32
          %dma_wait3A_113 = tpu.memref_slice %arg8[%sub3A_111, %dma_wait3A_112] : memref<125x80xi32, #tpu.memory_space<vmem>> -> memref<1x80xi32, #tpu.memory_space<vmem>>
          %dma_wait3A_114 = tpu.memref_squeeze %dma_wait3A_113 : memref<1x80xi32, #tpu.memory_space<vmem>> -> memref<80xi32, #tpu.memory_space<vmem>>
          %dma_wait3A_115 = arith.constant 0 : i32
          %dma_wait3A_116 = arith.constant 0 : i32
          %dma_wait3A_117 = tpu.memref_slice %arg16[%dma_wait3A_115, %dma_wait3A_116] : memref<10016x128xf32, #tpu.memory_space<vmem_shared>> -> memref<10016x128xf32, #tpu.memory_space<vmem_shared>>
          tpu.wait_indirect_dma semaphore(%arg15 : memref<!tpu.dma_semaphore, #tpu.memory_space<semaphore_mem>>) src(%arg9 : memref<80x128xf32, #tpu.memory_space<vmem>>) dst(%dma_wait3A_117 : memref<10016x128xf32, #tpu.memory_space<vmem_shared>>)
        } else {
        }
        %add3A_99 = arith.constant 2 : i32
        %add3A_100 = arith.addi %scan3A_69, %add3A_99 : i32
        %lt3A = arith.constant 125 : i32
        %lt3A_101 = arith.cmpi slt, %add3A_100, %lt3A : i32
        %convert_element_type3A_102 = arith.extui %lt3A_101 : i1 to i32
        %cond3A_103 = arith.constant 0 : i32
        %cond3A_104 = arith.cmpi ne, %convert_element_type3A_102, %cond3A_103 : i32
        scf.if %cond3A_104 {
          %add3A_111 = arith.constant 2 : i32
          %add3A_112 = arith.addi %scan3A_69, %add3A_111 : i32
          %dma_start3A_113 = arith.constant 0 : i32
          %dma_start3A_114 = tpu.memref_slice %arg7[%add3A_112, %dma_start3A_113] : memref<125x80xi32, #tpu.memory_space<vmem>> -> memref<1x80xi32, #tpu.memory_space<vmem>>
          %dma_start3A_115 = tpu.memref_squeeze %dma_start3A_114 : memref<1x80xi32, #tpu.memory_space<vmem>> -> memref<80xi32, #tpu.memory_space<vmem>>
          %dma_start3A_116 = arith.constant 0 : i32
          %dma_start3A_117 = arith.constant 0 : i32
          %dma_start3A_118 = tpu.memref_slice %arg2[%dma_start3A_116, %dma_start3A_117] : memref<10000x128xf32, #tpu.memory_space<hbm>> -> memref<10000x128xf32, #tpu.memory_space<hbm>>
          tpu.enqueue_indirect_dma source(%dma_start3A_118 : memref<10000x128xf32, #tpu.memory_space<hbm>>) target(%arg9 : memref<80x128xf32, #tpu.memory_space<vmem>>) offsets(%dma_start3A_115 : memref<80xi32, #tpu.memory_space<vmem>>) semaphore(%arg12 : memref<!tpu.dma_semaphore, #tpu.memory_space<semaphore_mem>>)
        } else {
        }
        %dma_start3A_105 = arith.constant 0 : i32
        %dma_start3A_106 = tpu.memref_slice %arg8[%scan3A_69, %dma_start3A_105] : memref<125x80xi32, #tpu.memory_space<vmem>> -> memref<1x80xi32, #tpu.memory_space<vmem>>
        %dma_start3A_107 = tpu.memref_squeeze %dma_start3A_106 : memref<1x80xi32, #tpu.memory_space<vmem>> -> memref<80xi32, #tpu.memory_space<vmem>>
        %dma_start3A_108 = arith.constant 0 : i32
        %dma_start3A_109 = arith.constant 0 : i32
        %dma_start3A_110 = tpu.memref_slice %arg16[%dma_start3A_108, %dma_start3A_109] : memref<10016x128xf32, #tpu.memory_space<vmem_shared>> -> memref<10016x128xf32, #tpu.memory_space<vmem_shared>>
        tpu.enqueue_indirect_dma source(%arg10 : memref<80x128xf32, #tpu.memory_space<vmem>>) target(%dma_start3A_110 : memref<10016x128xf32, #tpu.memory_space<vmem_shared>>) offsets(%dma_start3A_107 : memref<80xi32, #tpu.memory_space<vmem>>) semaphore(%arg15 : memref<!tpu.dma_semaphore, #tpu.memory_space<semaphore_mem>>) {add = true}
      } else {
      }
      %rem3A_81 = arith.constant 3 : i32
      %rem3A_82 = arith.remsi %scan3A_69, %rem3A_81 : i32
      %eq3A_83 = arith.constant 2 : i32
      %eq3A_84 = arith.cmpi eq, %rem3A_82, %eq3A_83 : i32
      %convert_element_type3A_85 = arith.extui %eq3A_84 : i1 to i32
      %cond3A_86 = arith.constant 0 : i32
      %cond3A_87 = arith.cmpi ne, %convert_element_type3A_85, %cond3A_86 : i32
      scf.if %cond3A_87 {
        %dma_wait3A_89 = arith.constant 0 : i32
        %dma_wait3A_90 = tpu.memref_slice %arg7[%scan3A_69, %dma_wait3A_89] : memref<125x80xi32, #tpu.memory_space<vmem>> -> memref<1x80xi32, #tpu.memory_space<vmem>>
        %dma_wait3A_91 = tpu.memref_squeeze %dma_wait3A_90 : memref<1x80xi32, #tpu.memory_space<vmem>> -> memref<80xi32, #tpu.memory_space<vmem>>
        %dma_wait3A_92 = arith.constant 0 : i32
        %dma_wait3A_93 = arith.constant 0 : i32
        %dma_wait3A_94 = tpu.memref_slice %arg2[%dma_wait3A_92, %dma_wait3A_93] : memref<10000x128xf32, #tpu.memory_space<hbm>> -> memref<10000x128xf32, #tpu.memory_space<hbm>>
        tpu.wait_indirect_dma semaphore(%arg14 : memref<!tpu.dma_semaphore, #tpu.memory_space<semaphore_mem>>) src(%dma_wait3A_94 : memref<10000x128xf32, #tpu.memory_space<hbm>>) dst(%arg11 : memref<80x128xf32, #tpu.memory_space<vmem>>)
        %gt3A = arith.constant 0 : i32
        %gt3A_95 = arith.cmpi sgt, %scan3A_69, %gt3A : i32
        %convert_element_type3A_96 = arith.extui %gt3A_95 : i1 to i32
        %cond3A_97 = arith.constant 0 : i32
        %cond3A_98 = arith.cmpi ne, %convert_element_type3A_96, %cond3A_97 : i32
        scf.if %cond3A_98 {
          %sub3A = arith.constant 1 : i32
          %sub3A_111 = arith.subi %scan3A_69, %sub3A : i32
          %dma_wait3A_112 = arith.constant 0 : i32
          %dma_wait3A_113 = tpu.memref_slice %arg8[%sub3A_111, %dma_wait3A_112] : memref<125x80xi32, #tpu.memory_space<vmem>> -> memref<1x80xi32, #tpu.memory_space<vmem>>
          %dma_wait3A_114 = tpu.memref_squeeze %dma_wait3A_113 : memref<1x80xi32, #tpu.memory_space<vmem>> -> memref<80xi32, #tpu.memory_space<vmem>>
          %dma_wait3A_115 = arith.constant 0 : i32
          %dma_wait3A_116 = arith.constant 0 : i32
          %dma_wait3A_117 = tpu.memref_slice %arg16[%dma_wait3A_115, %dma_wait3A_116] : memref<10016x128xf32, #tpu.memory_space<vmem_shared>> -> memref<10016x128xf32, #tpu.memory_space<vmem_shared>>
          tpu.wait_indirect_dma semaphore(%arg15 : memref<!tpu.dma_semaphore, #tpu.memory_space<semaphore_mem>>) src(%arg10 : memref<80x128xf32, #tpu.memory_space<vmem>>) dst(%dma_wait3A_117 : memref<10016x128xf32, #tpu.memory_space<vmem_shared>>)
        } else {
        }
        %add3A_99 = arith.constant 2 : i32
        %add3A_100 = arith.addi %scan3A_69, %add3A_99 : i32
        %lt3A = arith.constant 125 : i32
        %lt3A_101 = arith.cmpi slt, %add3A_100, %lt3A : i32
        %convert_element_type3A_102 = arith.extui %lt3A_101 : i1 to i32
        %cond3A_103 = arith.constant 0 : i32
        %cond3A_104 = arith.cmpi ne, %convert_element_type3A_102, %cond3A_103 : i32
        scf.if %cond3A_104 {
          %add3A_111 = arith.constant 2 : i32
          %add3A_112 = arith.addi %scan3A_69, %add3A_111 : i32
          %dma_start3A_113 = arith.constant 0 : i32
          %dma_start3A_114 = tpu.memref_slice %arg7[%add3A_112, %dma_start3A_113] : memref<125x80xi32, #tpu.memory_space<vmem>> -> memref<1x80xi32, #tpu.memory_space<vmem>>
          %dma_start3A_115 = tpu.memref_squeeze %dma_start3A_114 : memref<1x80xi32, #tpu.memory_space<vmem>> -> memref<80xi32, #tpu.memory_space<vmem>>
          %dma_start3A_116 = arith.constant 0 : i32
          %dma_start3A_117 = arith.constant 0 : i32
          %dma_start3A_118 = tpu.memref_slice %arg2[%dma_start3A_116, %dma_start3A_117] : memref<10000x128xf32, #tpu.memory_space<hbm>> -> memref<10000x128xf32, #tpu.memory_space<hbm>>
          tpu.enqueue_indirect_dma source(%dma_start3A_118 : memref<10000x128xf32, #tpu.memory_space<hbm>>) target(%arg10 : memref<80x128xf32, #tpu.memory_space<vmem>>) offsets(%dma_start3A_115 : memref<80xi32, #tpu.memory_space<vmem>>) semaphore(%arg13 : memref<!tpu.dma_semaphore, #tpu.memory_space<semaphore_mem>>)
        } else {
        }
        %dma_start3A_105 = arith.constant 0 : i32
        %dma_start3A_106 = tpu.memref_slice %arg8[%scan3A_69, %dma_start3A_105] : memref<125x80xi32, #tpu.memory_space<vmem>> -> memref<1x80xi32, #tpu.memory_space<vmem>>
        %dma_start3A_107 = tpu.memref_squeeze %dma_start3A_106 : memref<1x80xi32, #tpu.memory_space<vmem>> -> memref<80xi32, #tpu.memory_space<vmem>>
        %dma_start3A_108 = arith.constant 0 : i32
        %dma_start3A_109 = arith.constant 0 : i32
        %dma_start3A_110 = tpu.memref_slice %arg16[%dma_start3A_108, %dma_start3A_109] : memref<10016x128xf32, #tpu.memory_space<vmem_shared>> -> memref<10016x128xf32, #tpu.memory_space<vmem_shared>>
        tpu.enqueue_indirect_dma source(%arg11 : memref<80x128xf32, #tpu.memory_space<vmem>>) target(%dma_start3A_110 : memref<10016x128xf32, #tpu.memory_space<vmem_shared>>) offsets(%dma_start3A_107 : memref<80xi32, #tpu.memory_space<vmem>>) semaphore(%arg15 : memref<!tpu.dma_semaphore, #tpu.memory_space<semaphore_mem>>) {add = true}
      } else {
      }
      %scan3A_88 = arith.constant 0 : i32
      scf.yield %scan3A_88 : i32
    }
    %scan3A_60 = arith.constant 125 : i32
    %dma_wait3A_61 = arith.constant 124 : i32
    %dma_wait3A_62 = arith.constant 0 : i32
    %dma_wait3A_63 = tpu.memref_slice %arg8[%dma_wait3A_61, %dma_wait3A_62] : memref<125x80xi32, #tpu.memory_space<vmem>> -> memref<1x80xi32, #tpu.memory_space<vmem>>
    %dma_wait3A_64 = tpu.memref_squeeze %dma_wait3A_63 : memref<1x80xi32, #tpu.memory_space<vmem>> -> memref<80xi32, #tpu.memory_space<vmem>>
    %dma_wait3A_65 = arith.constant 0 : i32
    %dma_wait3A_66 = arith.constant 0 : i32
    %dma_wait3A_67 = tpu.memref_slice %arg16[%dma_wait3A_65, %dma_wait3A_66] : memref<10016x128xf32, #tpu.memory_space<vmem_shared>> -> memref<10016x128xf32, #tpu.memory_space<vmem_shared>>
    tpu.wait_indirect_dma semaphore(%arg15 : memref<!tpu.dma_semaphore, #tpu.memory_space<semaphore_mem>>) src(%arg10 : memref<80x128xf32, #tpu.memory_space<vmem>>) dst(%dma_wait3A_67 : memref<10016x128xf32, #tpu.memory_space<vmem_shared>>)
    %barrier3A_68 = arith.constant 0 : index
    tpu.barrier barrier_id(%barrier3A_68)
    "tpu.region"() ({
      %run_scoped3A = tpu.sem_alloc : memref<!tpu.dma_semaphore, #tpu.memory_space<semaphore_mem>>
      %dma_start3A_69 = arith.constant 0 : i32
      %dma_start3A_70 = tpu.memref_slice %arg6[%arg0, %mul3A_2, %dma_start3A_69] : memref<2x10016x128xf32, #tpu.memory_space<hbm>> -> memref<1x626x128xf32, #tpu.memory_space<hbm>>
      %dma_start3A_71 = tpu.memref_squeeze %dma_start3A_70 : memref<1x626x128xf32, #tpu.memory_space<hbm>> -> memref<626x128xf32, #tpu.memory_space<hbm>>
      %dma_start3A_72 = arith.constant 0 : i32
      %dma_start3A_73 = tpu.memref_slice %arg16[%mul3A_2, %dma_start3A_72] : memref<10016x128xf32, #tpu.memory_space<vmem_shared>> -> memref<626x128xf32, #tpu.memory_space<vmem_shared>>
      tpu.enqueue_dma source(%dma_start3A_73 : memref<626x128xf32, #tpu.memory_space<vmem_shared>>) target(%dma_start3A_71 : memref<626x128xf32, #tpu.memory_space<hbm>>) target_semaphore(%run_scoped3A : memref<!tpu.dma_semaphore, #tpu.memory_space<semaphore_mem>>)
      %dma_wait3A_74 = arith.constant 0 : i32
      %dma_wait3A_75 = tpu.memref_slice %arg6[%arg0, %mul3A_2, %dma_wait3A_74] : memref<2x10016x128xf32, #tpu.memory_space<hbm>> -> memref<1x626x128xf32, #tpu.memory_space<hbm>>
      %dma_wait3A_76 = tpu.memref_squeeze %dma_wait3A_75 : memref<1x626x128xf32, #tpu.memory_space<hbm>> -> memref<626x128xf32, #tpu.memory_space<hbm>>
      %dma_wait3A_77 = arith.constant 0 : i32
      %dma_wait3A_78 = tpu.memref_slice %arg16[%mul3A_2, %dma_wait3A_77] : memref<10016x128xf32, #tpu.memory_space<vmem_shared>> -> memref<626x128xf32, #tpu.memory_space<vmem_shared>>
      tpu.wait_dma2 semaphore(%run_scoped3A : memref<!tpu.dma_semaphore, #tpu.memory_space<semaphore_mem>>) src(%dma_wait3A_78 : memref<626x128xf32, #tpu.memory_space<vmem_shared>>) dst(%dma_wait3A_76 : memref<626x128xf32, #tpu.memory_space<hbm>>)
      tpu.yield
    }) : () -> ()
    return
  }
}

module attributes {stable_mosaic.version = 14 : i64} {
  func.func @_tc_scale_matmul(%arg0: i32, %arg1: memref<2000x128xf32, #tpu.memory_space<vmem>>, %arg2: memref<128x128xf32, #tpu.memory_space<vmem>>, %arg3: memref<2x2000x16xf32, #tpu.memory_space<vmem>>, %arg4: memref<2000x128xf32, #tpu.memory_space<vmem>>) attributes {dimension_semantics = [#tpu.dimension_semantics<arbitrary>], iteration_bounds = array<i64: 5>, scalar_prefetch = 0 : i64, scratch_operands = 0 : i64, tpu.core_type = #tpu.core_type<tc>, window_params = [{transform_indices = @transform_0, window_bounds = array<i64: 2000, 128>}, {pipeline_mode = #tpu.pipeline_mode<synchronous>, transform_indices = @transform_1, window_bounds = array<i64: 128, 128>}, {transform_indices = @transform_2, window_bounds = array<i64: 2, 2000, 16>}, {transform_indices = @transform_3, window_bounds = array<i64: 2000, 128>}]} {
    %get3A = arith.constant 0 : index
    %get3A_0 = arith.constant 0 : index
    %get3A_1 = arith.constant 0 : index
    %get3A_2 = vector.load %arg3[%get3A, %get3A_0, %get3A_1] : memref<2x2000x16xf32, #tpu.memory_space<vmem>>, vector<2x2000x16xf32>
    %slice3A = vector.extract_strided_slice %get3A_2 {offsets = [0, 0, 0], sizes = [1, 2000, 1], strides = [1, 1, 1]} : vector<2x2000x16xf32> to vector<1x2000x1xf32>
    %squeeze3A = vector.shape_cast %slice3A : vector<1x2000x1xf32> to vector<2000x1xf32>
    %slice3A_3 = vector.extract_strided_slice %get3A_2 {offsets = [1, 0, 0], sizes = [1, 2000, 1], strides = [1, 1, 1]} : vector<2x2000x16xf32> to vector<1x2000x1xf32>
    %squeeze3A_4 = vector.shape_cast %slice3A_3 : vector<1x2000x1xf32> to vector<2000x1xf32>
    %add3A = arith.addf %squeeze3A, %squeeze3A_4 : vector<2000x1xf32>
    %add3A_5 = arith.constant 1.000000e+00 : f32
    %add3A_6 = vector.broadcast %add3A_5 : f32 to vector<2000x1xf32>
    %add3A_7 = arith.addf %add3A, %add3A_6 : vector<2000x1xf32>
    %rsqrt3A = math.rsqrt %add3A_7 : vector<2000x1xf32>
    %get3A_8 = arith.constant 0 : index
    %get3A_9 = arith.constant 0 : index
    %get3A_10 = vector.load %arg1[%get3A_8, %get3A_9] : memref<2000x128xf32, #tpu.memory_space<vmem>>, vector<2000x128xf32>
    %get3A_11 = arith.constant 0 : index
    %get3A_12 = arith.constant 0 : index
    %get3A_13 = vector.load %arg2[%get3A_11, %get3A_12] : memref<128x128xf32, #tpu.memory_space<vmem>>, vector<128x128xf32>
    %dot_general3A = arith.constant dense<0.000000e+00> : vector<2000x128xf32>
    %dot_general3A_14 = tpu.matmul %get3A_10, %get3A_13, %dot_general3A {dimension_numbers = #tpu.dot_dimension_numbers<[1], [0], [0], [1], [0, 0, 1, 1], [], []>, transpose_lhs_hint = false} : vector<2000x128xf32>, vector<128x128xf32>, vector<2000x128xf32> -> vector<2000x128xf32>
    %mul3A = vector.broadcast %rsqrt3A : vector<2000x1xf32> to vector<2000x128xf32>
    %mul3A_15 = arith.mulf %dot_general3A_14, %mul3A : vector<2000x128xf32>
    %swap3A = arith.constant 0 : index
    %swap3A_16 = arith.constant 0 : index
    %swap3A_17 = vector.load %arg4[%swap3A, %swap3A_16] : memref<2000x128xf32, #tpu.memory_space<vmem>>, vector<2000x128xf32>
    tpu.vector_store %arg4[%swap3A, %swap3A_16], %mul3A_15 {strides = array<i32>} : memref<2000x128xf32, #tpu.memory_space<vmem>>, vector<2000x128xf32>,
    return
  }
  func.func @transform_0(%arg0: i32) -> (i32, i32) {
    %c0_i32 = arith.constant 0 : i32
    %c0_i32_0 = arith.constant 0 : i32
    return %arg0, %c0_i32 : i32, i32
  }
  func.func @transform_1(%arg0: i32) -> (i32, i32) {
    %c0_i32 = arith.constant 0 : i32
    %c0_i32_0 = arith.constant 0 : i32
    %c0_i32_1 = arith.constant 0 : i32
    return %c0_i32, %c0_i32_0 : i32, i32
  }
  func.func @transform_2(%arg0: i32) -> (i32, i32, i32) {
    %c0_i32 = arith.constant 0 : i32
    %c0_i32_0 = arith.constant 0 : i32
    %c0_i32_1 = arith.constant 0 : i32
    return %c0_i32, %arg0, %c0_i32_0 : i32, i32, i32
  }
  func.func @transform_3(%arg0: i32) -> (i32, i32) {
    %c0_i32 = arith.constant 0 : i32
    %c0_i32_0 = arith.constant 0 : i32
    return %arg0, %c0_i32 : i32, i32
  }
}

module attributes {stable_mosaic.version = 14 : i64} {
  func.func @_tc_combine_matmul(%arg0: i32, %arg1: memref<2x2000x128xf32, #tpu.memory_space<vmem>>, %arg2: memref<2000x128xf32, #tpu.memory_space<vmem>>, %arg3: memref<2x2000x16xf32, #tpu.memory_space<vmem>>, %arg4: memref<128x128xf32, #tpu.memory_space<vmem>>, %arg5: memref<1x128xf32, #tpu.memory_space<vmem>>, %arg6: memref<2000x128xf32, #tpu.memory_space<vmem>>) attributes {dimension_semantics = [#tpu.dimension_semantics<arbitrary>], iteration_bounds = array<i64: 5>, scalar_prefetch = 0 : i64, scratch_operands = 0 : i64, tpu.core_type = #tpu.core_type<tc>, window_params = [{transform_indices = @transform_0, window_bounds = array<i64: 2, 2000, 128>}, {transform_indices = @transform_1, window_bounds = array<i64: 2000, 128>}, {transform_indices = @transform_2, window_bounds = array<i64: 2, 2000, 16>}, {pipeline_mode = #tpu.pipeline_mode<synchronous>, transform_indices = @transform_3, window_bounds = array<i64: 128, 128>}, {pipeline_mode = #tpu.pipeline_mode<synchronous>, transform_indices = @transform_4, window_bounds = array<i64: 1, 128>}, {transform_indices = @transform_5, window_bounds = array<i64: 2000, 128>}]} {
    %get3A = arith.constant 0 : index
    %get3A_0 = arith.constant 0 : index
    %get3A_1 = arith.constant 0 : index
    %get3A_2 = vector.load %arg3[%get3A, %get3A_0, %get3A_1] : memref<2x2000x16xf32, #tpu.memory_space<vmem>>, vector<2x2000x16xf32>
    %slice3A = vector.extract_strided_slice %get3A_2 {offsets = [0, 0, 0], sizes = [1, 2000, 1], strides = [1, 1, 1]} : vector<2x2000x16xf32> to vector<1x2000x1xf32>
    %squeeze3A = vector.shape_cast %slice3A : vector<1x2000x1xf32> to vector<2000x1xf32>
    %slice3A_3 = vector.extract_strided_slice %get3A_2 {offsets = [1, 0, 0], sizes = [1, 2000, 1], strides = [1, 1, 1]} : vector<2x2000x16xf32> to vector<1x2000x1xf32>
    %squeeze3A_4 = vector.shape_cast %slice3A_3 : vector<1x2000x1xf32> to vector<2000x1xf32>
    %add3A = arith.addf %squeeze3A, %squeeze3A_4 : vector<2000x1xf32>
    %add3A_5 = arith.constant 1.000000e+00 : f32
    %add3A_6 = vector.broadcast %add3A_5 : f32 to vector<2000x1xf32>
    %add3A_7 = arith.addf %add3A, %add3A_6 : vector<2000x1xf32>
    %rsqrt3A = math.rsqrt %add3A_7 : vector<2000x1xf32>
    %get3A_8 = arith.constant 0 : index
    %get3A_9 = arith.constant 0 : index
    %get3A_10 = arith.constant 0 : index
    %get3A_11 = vector.load %arg1[%get3A_8, %get3A_9, %get3A_10] : memref<2x2000x128xf32, #tpu.memory_space<vmem>>, vector<1x2000x128xf32>
    %get3A_12 = vector.shape_cast %get3A_11 : vector<1x2000x128xf32> to vector<2000x128xf32>
    %get3A_13 = arith.constant 1 : index
    %get3A_14 = arith.constant 0 : index
    %get3A_15 = arith.constant 0 : index
    %get3A_16 = vector.load %arg1[%get3A_13, %get3A_14, %get3A_15] : memref<2x2000x128xf32, #tpu.memory_space<vmem>>, vector<1x2000x128xf32>
    %get3A_17 = vector.shape_cast %get3A_16 : vector<1x2000x128xf32> to vector<2000x128xf32>
    %add3A_18 = arith.addf %get3A_12, %get3A_17 : vector<2000x128xf32>
    %get3A_19 = arith.constant 0 : index
    %get3A_20 = arith.constant 0 : index
    %get3A_21 = vector.load %arg2[%get3A_19, %get3A_20] : memref<2000x128xf32, #tpu.memory_space<vmem>>, vector<2000x128xf32>
    %add3A_22 = arith.addf %add3A_18, %get3A_21 : vector<2000x128xf32>
    %mul3A = vector.broadcast %rsqrt3A : vector<2000x1xf32> to vector<2000x128xf32>
    %mul3A_23 = arith.mulf %mul3A, %add3A_22 : vector<2000x128xf32>
    %get3A_24 = arith.constant 0 : index
    %get3A_25 = arith.constant 0 : index
    %get3A_26 = vector.load %arg5[%get3A_24, %get3A_25] : memref<1x128xf32, #tpu.memory_space<vmem>>, vector<1x128xf32>
    %add3A_27 = vector.broadcast %get3A_26 : vector<1x128xf32> to vector<2000x128xf32>
    %add3A_28 = arith.addf %mul3A_23, %add3A_27 : vector<2000x128xf32>
    %max3A = arith.constant 0.000000e+00 : f32
    %max3A_29 = vector.broadcast %max3A : f32 to vector<2000x128xf32>
    %max3A_30 = arith.maximumf %add3A_28, %max3A_29 : vector<2000x128xf32>
    %get3A_31 = arith.constant 0 : index
    %get3A_32 = arith.constant 0 : index
    %get3A_33 = vector.load %arg4[%get3A_31, %get3A_32] : memref<128x128xf32, #tpu.memory_space<vmem>>, vector<128x128xf32>
    %dot_general3A = arith.constant dense<0.000000e+00> : vector<2000x128xf32>
    %dot_general3A_34 = tpu.matmul %max3A_30, %get3A_33, %dot_general3A {dimension_numbers = #tpu.dot_dimension_numbers<[1], [0], [0], [1], [0, 0, 1, 1], [], []>, transpose_lhs_hint = false} : vector<2000x128xf32>, vector<128x128xf32>, vector<2000x128xf32> -> vector<2000x128xf32>
    %mul3A_35 = vector.broadcast %rsqrt3A : vector<2000x1xf32> to vector<2000x128xf32>
    %mul3A_36 = arith.mulf %dot_general3A_34, %mul3A_35 : vector<2000x128xf32>
    %swap3A = arith.constant 0 : index
    %swap3A_37 = arith.constant 0 : index
    %swap3A_38 = vector.load %arg6[%swap3A, %swap3A_37] : memref<2000x128xf32, #tpu.memory_space<vmem>>, vector<2000x128xf32>
    tpu.vector_store %arg6[%swap3A, %swap3A_37], %mul3A_36 {strides = array<i32>} : memref<2000x128xf32, #tpu.memory_space<vmem>>, vector<2000x128xf32>,
    return
  }
  func.func @transform_0(%arg0: i32) -> (i32, i32, i32) {
    %c0_i32 = arith.constant 0 : i32
    %c0_i32_0 = arith.constant 0 : i32
    %c0_i32_1 = arith.constant 0 : i32
    return %c0_i32, %arg0, %c0_i32_0 : i32, i32, i32
  }
  func.func @transform_1(%arg0: i32) -> (i32, i32) {
    %c0_i32 = arith.constant 0 : i32
    %c0_i32_0 = arith.constant 0 : i32
    return %arg0, %c0_i32 : i32, i32
  }
  func.func @transform_2(%arg0: i32) -> (i32, i32, i32) {
    %c0_i32 = arith.constant 0 : i32
    %c0_i32_0 = arith.constant 0 : i32
    %c0_i32_1 = arith.constant 0 : i32
    return %c0_i32, %arg0, %c0_i32_0 : i32, i32, i32
  }
  func.func @transform_3(%arg0: i32) -> (i32, i32) {
    %c0_i32 = arith.constant 0 : i32
    %c0_i32_0 = arith.constant 0 : i32
    %c0_i32_1 = arith.constant 0 : i32
    return %c0_i32, %c0_i32_0 : i32, i32
  }
  func.func @transform_4(%arg0: i32) -> (i32, i32) {
    %c0_i32 = arith.constant 0 : i32
    %c0_i32_0 = arith.constant 0 : i32
    %c0_i32_1 = arith.constant 0 : i32
    return %c0_i32, %c0_i32_0 : i32, i32
  }
  func.func @transform_5(%arg0: i32) -> (i32, i32) {
    %c0_i32 = arith.constant 0 : i32
    %c0_i32_0 = arith.constant 0 : i32
    return %arg0, %c0_i32 : i32, i32
  }
}

module attributes {stable_mosaic.version = 14 : i64} {
  func.func @_tc_final(%arg0: i32, %arg1: memref<2x2000x128xf32, #tpu.memory_space<vmem>>, %arg2: memref<2000x128xf32, #tpu.memory_space<vmem>>, %arg3: memref<2x2000x16xf32, #tpu.memory_space<vmem>>, %arg4: memref<1x128xf32, #tpu.memory_space<vmem>>, %arg5: memref<2000x128xf32, #tpu.memory_space<vmem>>) attributes {dimension_semantics = [#tpu.dimension_semantics<arbitrary>], iteration_bounds = array<i64: 5>, scalar_prefetch = 0 : i64, scratch_operands = 0 : i64, tpu.core_type = #tpu.core_type<tc>, window_params = [{transform_indices = @transform_0, window_bounds = array<i64: 2, 2000, 128>}, {transform_indices = @transform_1, window_bounds = array<i64: 2000, 128>}, {transform_indices = @transform_2, window_bounds = array<i64: 2, 2000, 16>}, {pipeline_mode = #tpu.pipeline_mode<synchronous>, transform_indices = @transform_3, window_bounds = array<i64: 1, 128>}, {transform_indices = @transform_4, window_bounds = array<i64: 2000, 128>}]} {
    %get3A = arith.constant 0 : index
    %get3A_0 = arith.constant 0 : index
    %get3A_1 = arith.constant 0 : index
    %get3A_2 = vector.load %arg3[%get3A, %get3A_0, %get3A_1] : memref<2x2000x16xf32, #tpu.memory_space<vmem>>, vector<2x2000x16xf32>
    %slice3A = vector.extract_strided_slice %get3A_2 {offsets = [0, 0, 0], sizes = [1, 2000, 1], strides = [1, 1, 1]} : vector<2x2000x16xf32> to vector<1x2000x1xf32>
    %squeeze3A = vector.shape_cast %slice3A : vector<1x2000x1xf32> to vector<2000x1xf32>
    %slice3A_3 = vector.extract_strided_slice %get3A_2 {offsets = [1, 0, 0], sizes = [1, 2000, 1], strides = [1, 1, 1]} : vector<2x2000x16xf32> to vector<1x2000x1xf32>
    %squeeze3A_4 = vector.shape_cast %slice3A_3 : vector<1x2000x1xf32> to vector<2000x1xf32>
    %add3A = arith.addf %squeeze3A, %squeeze3A_4 : vector<2000x1xf32>
    %add3A_5 = arith.constant 1.000000e+00 : f32
    %add3A_6 = vector.broadcast %add3A_5 : f32 to vector<2000x1xf32>
    %add3A_7 = arith.addf %add3A, %add3A_6 : vector<2000x1xf32>
    %rsqrt3A = math.rsqrt %add3A_7 : vector<2000x1xf32>
    %get3A_8 = arith.constant 0 : index
    %get3A_9 = arith.constant 0 : index
    %get3A_10 = arith.constant 0 : index
    %get3A_11 = vector.load %arg1[%get3A_8, %get3A_9, %get3A_10] : memref<2x2000x128xf32, #tpu.memory_space<vmem>>, vector<1x2000x128xf32>
    %get3A_12 = vector.shape_cast %get3A_11 : vector<1x2000x128xf32> to vector<2000x128xf32>
    %get3A_13 = arith.constant 1 : index
    %get3A_14 = arith.constant 0 : index
    %get3A_15 = arith.constant 0 : index
    %get3A_16 = vector.load %arg1[%get3A_13, %get3A_14, %get3A_15] : memref<2x2000x128xf32, #tpu.memory_space<vmem>>, vector<1x2000x128xf32>
    %get3A_17 = vector.shape_cast %get3A_16 : vector<1x2000x128xf32> to vector<2000x128xf32>
    %add3A_18 = arith.addf %get3A_12, %get3A_17 : vector<2000x128xf32>
    %get3A_19 = arith.constant 0 : index
    %get3A_20 = arith.constant 0 : index
    %get3A_21 = vector.load %arg2[%get3A_19, %get3A_20] : memref<2000x128xf32, #tpu.memory_space<vmem>>, vector<2000x128xf32>
    %add3A_22 = arith.addf %add3A_18, %get3A_21 : vector<2000x128xf32>
    %mul3A = vector.broadcast %rsqrt3A : vector<2000x1xf32> to vector<2000x128xf32>
    %mul3A_23 = arith.mulf %mul3A, %add3A_22 : vector<2000x128xf32>
    %get3A_24 = arith.constant 0 : index
    %get3A_25 = arith.constant 0 : index
    %get3A_26 = vector.load %arg4[%get3A_24, %get3A_25] : memref<1x128xf32, #tpu.memory_space<vmem>>, vector<1x128xf32>
    %add3A_27 = vector.broadcast %get3A_26 : vector<1x128xf32> to vector<2000x128xf32>
    %add3A_28 = arith.addf %mul3A_23, %add3A_27 : vector<2000x128xf32>
    %swap3A = arith.constant 0 : index
    %swap3A_29 = arith.constant 0 : index
    %swap3A_30 = vector.load %arg5[%swap3A, %swap3A_29] : memref<2000x128xf32, #tpu.memory_space<vmem>>, vector<2000x128xf32>
    tpu.vector_store %arg5[%swap3A, %swap3A_29], %add3A_28 {strides = array<i32>} : memref<2000x128xf32, #tpu.memory_space<vmem>>, vector<2000x128xf32>,
    return
  }
  func.func @transform_0(%arg0: i32) -> (i32, i32, i32) {
    %c0_i32 = arith.constant 0 : i32
    %c0_i32_0 = arith.constant 0 : i32
    %c0_i32_1 = arith.constant 0 : i32
    return %c0_i32, %arg0, %c0_i32_0 : i32, i32, i32
  }
  func.func @transform_1(%arg0: i32) -> (i32, i32) {
    %c0_i32 = arith.constant 0 : i32
    %c0_i32_0 = arith.constant 0 : i32
    return %arg0, %c0_i32 : i32, i32
  }
  func.func @transform_2(%arg0: i32) -> (i32, i32, i32) {
    %c0_i32 = arith.constant 0 : i32
    %c0_i32_0 = arith.constant 0 : i32
    %c0_i32_1 = arith.constant 0 : i32
    return %c0_i32, %arg0, %c0_i32_0 : i32, i32, i32
  }
  func.func @transform_3(%arg0: i32) -> (i32, i32) {
    %c0_i32 = arith.constant 0 : i32
    %c0_i32_0 = arith.constant 0 : i32
    %c0_i32_1 = arith.constant 0 : i32
    return %c0_i32, %c0_i32_0 : i32, i32
  }
  func.func @transform_4(%arg0: i32) -> (i32, i32) {
    %c0_i32 = arith.constant 0 : i32
    %c0_i32_0 = arith.constant 0 : i32
    return %arg0, %c0_i32 : i32, i32
  }
}

</mosaic_0001>

<sc_bundles>
// kernel: kernel.11.cloned.1.call-start
scs
__scs_entry_jumppad:
0x0: {  	(pc) =	sbr.rel $0x88, $3  }
0x1: {  	(tag) =	ssettag $0x0;
	lr =	simm.s32 $0x1  }
0x2: {  	[smem:$0x3F9A] =	sst lr;
	_ =	strace $0xD0000000  }
0x3: {  	_ = 	snop  }
0x4: {  	_ = 	snop  }
0x5: {  	_ = 	snop  }
0x6: {  	_ = 	snop  }
0x7: {  	_ = 	snop  }
__scs_overlays_trampoline_lowered:
0x8: {  	[smem:$0x3FA9] =	sst s0  }
0x9: {  	[smem:$0x3FAA] =	sst s1  }
0xa: {  	[smem:$0x3FAB] =	sst s2  }
0xb: {  	[smem:$0x3FAC] =	sst s3  }
0xc: {  	[smem:$0x3FAD] =	sst s4  }
0xd: {  	[smem:$0x3FAE] =	sst s5  }
0xe: {  	[smem:$0x3FAF] =	sst s6  }
0xf: {  	[smem:$0x3FB0] =	sst s7  }
0x10: {  	[smem:$0x3FB1] =	sst s8  }
0x11: {  	[smem:$0x3FB2] =	sst s9;
	s0 =	simm.s32 @!p0 $0x0  }
0x12: {  	s1 =	sld [smem:$0x3F98];
	s0 =	simm.s32 @p0 $0x1  }
0x13: {  	[smem:$0x3FB3] =	sst s0;
	s0 =	simm.s32 @!p1 $0x0  }
0x14: {  	s2 =	sld [smem:$0x3F97];
	s0 =	simm.s32 @p1 $0x1  }
0x15: {  	[smem:$0x3FB4] =	sst s0;
	s0 =	simm.s32 @!p2 $0x0  }
0x16: {  	s3 =	sld [smem:$0x3FDB];
	s0 =	simm.s32 @p2 $0x1  }
0x17: {  	s4 =	simm.s32 $0x1BF5;
	[smem:$0x3FB6] =	sst s0  }
0x18: {  	s0 =	sld [smem:$0x3F99];
	_ =	swait.ge [sflag:s4], $0x0  }
0x19: {  	s7 =	sld [smem:$0x3F9A]  }
0x1a: {  	s8 =	sadd.s32 $0xFFFFE003, lr  }
0x1b: {  	s9 =	sadd.s32 $0xFFFFFEF7, lr;
	s5 =	simm.s32 $0xFFFFFFFF;
	p2 =	slt.u32 s8, $0xFFFFF086  }
0x1c: {  	p1 =	slt.u32 s9, $0xF7A;
	s5 =	simm.s32 @!p2 $0x0  }
0x1d: {  	s5 =	simm.s32 @p1 $0x1;
	p0 =	seq.s32 s7, s2  }
0x1e: {  	s7 =	smul.u32 @!p0 $0xF7A, s2;
	p2 =	seq.s32 @!p0 s5, $0x0  }
0x1f: {  	s9 =	smul.u32 $0xF7A, s1;
	s8 =	simm.s32 @!p0 $0x1BF5;
	p2 =	por !p2, p0  }
0x20: {  	[sflag:s8] =	ssyncset.s32 @!p0 $0xFFFFF086;
	s6 =	sadd.s32 @!p0 s3, s7;
	s7 =	simm.s32 @!p0 $0x108  }
0x21: {  	s3 =	sadd.s32 s3, s9;
	s6 =	sadd.s32 @!p0 $0x88, s6;
	s7 =	simm.s32 @p2 $0x1082  }
0x22: {  	[simem:s7], [sflag:s8] =	dma.local @!p0 [hbm:s6], $0xF7A  }
0x23: {  	s9 =	sor.u32 $0xD0000000, s2;
	s6 =	simm.s32 $0x108;
	_ =	swait.ge @!p0 [sflag:s8], $0x0  }
0x24: {  	s3 =	sadd.s32 $0x88, s3;
	s6 =	simm.s32 @!p1 $0x1082;
	[sflag:s4] =	ssyncset.s32 $0xFFFFF086  }
0x25: {  	[simem:s6], [sflag:s4] =	dma.local [hbm:s3], $0xF7A  }
0x26: {  	[smem:$0x3F9A] =	sst s1;
	(tag) =	ssettag s2;
	_ =	strace s9  }
0x27: {  	s1 =	sld [smem:$0x3FAA]  }
0x28: {  	s2 =	sld [smem:$0x3FAB]  }
0x29: {  	s4 =	sld [smem:$0x3FAD]  }
0x2a: {  	p0 =	seq.s32 s5, $0x0;
	s5 =	sld [smem:$0x3FAE]  }
0x2b: {  	s6 =	sld [smem:$0x3FAF]  }
0x2c: {  	s7 =	sld [smem:$0x3FB0]  }
0x2d: {  	s3 =	simm.s32 $0x108;
	s8 =	sld [smem:$0x3FB1]  }
0x2e: {  	s3 =	simm.s32 @!p0 $0x1082;
	s9 =	sld [smem:$0x3FB2]  }
0x2f: {  	lr =	sadd.s32 s0, s3;
	s0 =	sld [smem:$0x3FA9]  }
0x30: {  	s3 =	sld [smem:$0x3FAC]  }
0x31: {  	[smem:$0x3FB5] =	sst s10  }
0x32: {  	s10 =	sld [smem:$0x3FB3];
	_ =	sdelay $0x3  }
0x33: {  	p0 =	seq.s32 s10, $0x1;
	s10 =	sld [smem:$0x3FB5];
	_ =	sdelay $0x3  }
0x34: {  	[smem:$0x3FB5] =	sst s10  }
0x35: {  	s10 =	sld [smem:$0x3FB4];
	_ =	sdelay $0x3  }
0x36: {  	p1 =	seq.s32 s10, $0x1;
	s10 =	sld [smem:$0x3FB5];
	_ =	sdelay $0x3  }
0x37: {  	[smem:$0x3FB5] =	sst s10  }
0x38: {  	s10 =	sld [smem:$0x3FB6]  }
0x39: {  	_ = 	snop;
	(pc) =	sbr.ind lr, $3  }
0x3a: {  	_ = 	snop  }
0x3b: {  	_ = 	snop  }
0x3c: {  	p2 =	seq.s32 s10, $0x1;
	s10 =	sld [smem:$0x3FB5]  }
0x3d: {  	_ =	shalt  }
0x3e: {  	_ =	shalt  }
0x3f: {  	_ =	shalt  }
0x40: {  	_ =	shalt  }
0x41: {  	_ =	shalt  }
0x42: {  	_ =	shalt  }
0x43: {  	_ =	shalt  }
0x44: {  	_ =	shalt  }
0x45: {  	_ =	shalt  }
0x46: {  	_ =	shalt  }
0x47: {  	_ =	shalt  }
0x48: {  	_ =	shalt  }
0x49: {  	_ =	shalt  }
0x4a: {  	_ =	shalt  }
0x4b: {  	_ =	shalt  }
0x4c: {  	_ =	shalt  }
0x4d: {  	_ =	shalt  }
0x4e: {  	_ =	shalt  }
0x4f: {  	_ =	shalt  }
0x50: {  	_ =	shalt  }
0x51: {  	_ =	shalt  }
0x52: {  	_ =	shalt  }
0x53: {  	_ =	shalt  }
0x54: {  	_ =	shalt  }
0x55: {  	_ =	shalt  }
0x56: {  	_ =	shalt  }
0x57: {  	_ =	shalt  }
0x58: {  	_ =	shalt  }
0x59: {  	_ =	shalt  }
0x5a: {  	_ =	shalt  }
0x5b: {  	_ =	shalt  }
0x5c: {  	_ =	shalt  }
0x5d: {  	_ =	shalt  }
0x5e: {  	_ =	shalt  }
0x5f: {  	_ =	shalt  }
0x60: {  	_ =	shalt  }
0x61: {  	_ =	shalt  }
0x62: {  	_ =	shalt  }
0x63: {  	_ =	shalt  }
0x64: {  	_ =	shalt  }
0x65: {  	_ =	shalt  }
0x66: {  	_ =	shalt  }
0x67: {  	_ =	shalt  }
0x68: {  	_ =	shalt  }
0x69: {  	_ =	shalt  }
0x6a: {  	_ =	shalt  }
0x6b: {  	_ =	shalt  }
0x6c: {  	_ =	shalt  }
0x6d: {  	_ =	shalt  }
0x6e: {  	_ =	shalt  }
0x6f: {  	_ =	shalt  }
0x70: {  	_ =	shalt  }
0x71: {  	_ =	shalt  }
0x72: {  	_ =	shalt  }
0x73: {  	_ =	shalt  }
0x74: {  	_ =	shalt  }
0x75: {  	_ =	shalt  }
0x76: {  	_ =	shalt  }
0x77: {  	_ =	shalt  }
0x78: {  	_ =	shalt  }
0x79: {  	_ =	shalt  }
0x7a: {  	_ =	shalt  }
0x7b: {  	_ =	shalt  }
0x7c: {  	_ =	shalt  }
0x7d: {  	_ =	shalt  }
0x7e: {  	_ =	shalt  }
0x7f: {  	_ =	shalt  }
0x80: {  	_ =	shalt  }
0x81: {  	_ =	shalt  }
0x82: {  	_ =	shalt  }
0x83: {  	_ =	shalt  }
0x84: {  	_ =	shalt  }
0x85: {  	_ =	shalt  }
0x86: {  	_ =	shalt  }
0x87: {  	_ =	shalt  }
.Lfunc_end0:
.L_simem_size_0:
called_computation.1_lowered:
.L_overlay_start_0:
0x88: {  	s2 =	sld [smem:$0x3FD9]  }
0x89: {  	s3 =	sld [smem:$0x3FFE];
	_ =	sdelay $0x1  }
0x8a: {  	s1 =	srdreg.scid  }
0x8b: {  	s0 =	sand.u32 $0x1, s1  }
0x8c: {  	s17 =	sshll.u32 s0, $0xA;
	s2 =	sadd.s32 s3, s2  }
0x8d: {  	s2 =	sadd.s32 s2, s17  }
0x8e: {  	[smem:$0x3FC1] =	sst s2  }
0x8f: {  	_ = 	snop  }
0x90: {  	s2 =	sld [smem:$0x3FD0];
	(tm) =	ssettm $0x1  }
0x91: {  	s18 =	sld [smem:$0x3FFB];
	_ =	sdelay $0x3  }
0x92: {  	_ =	strace s18  }
0x93: {  	s3 =	sld [smem:$0x3FFC];
	_ =	sdelay $0x3  }
0x94: {  	_ =	strace s3  }
0x95: {  	s3 =	sld [smem:$0x3FFD];
	_ =	sdelay $0x3  }
0x96: {  	_ =	strace s3  }
0x97: {  	_ =	strace $0x8FFFFFFF  }
0x98: {  	s19 =	sld [smem:$0x3FDB];
	_ =	sdelay $0x1  }
0x99: {  	s4 =	simm.s32 $_scs_section_size  }
0x9a: {  	s5 =	simm.s32 $_size__tile_overlayer_lowered;
	s6 =	simm.s32 $_tile_overlayer_lowered  }
0x9b: {  	s22 =	simm.s32 $0x1BFF;
	s21 =	sshll.u32 s6, $0x1;
	s3 =	sadd.s32 s4, s19  }
0x9c: {  	s7 =	simm.s32 $0x0;
	s20 =	sshll.u32 s5, $0x1;
	s5 =	sadd.s32 s21, s3  }
0x9d: {  	[timem:s7], [sflag:s22] =	dma.local [hbm:s5], s20  }
0x9e: {  	_ =	swait.ge [sflag:s22], s20  }
0x9f: {  	s4 =	ssub.s32 $0x0, s20;
	[sflag:s22] =	ssyncset.done $0x0  }
0xa0: {  	[sflag:s22] =	ssyncadd.s32 s4;
	_ =	sdelay $0x1  }
0xa1: {  	s23 =	simm.s32 $0x1B8B  }
0xa2: {  	_ =	swait.ge [sflag:s23], $0x1  }
0xa3: {  	[sflag:s23] =	ssyncset.done $0x0  }
0xa4: {  	s25 =	simm.s32 $0x1B8E;
	s24 =	sld [smem:$0x3FFE];
	[sflag:s23] =	ssyncadd.s32 $0xFFFFFFFF  }
0xa5: {  	s26 =	simm.s32 $execute0_lowered;
	[smem:$0x3FD2] =	sst s25  }
0xa6: {  	s5 =	sshll.u32 s26, $0x1;
	_ =	strace $0x80000049;
	[dreg:$0x1] =	wrdreg $0xFFFFFFFF  }
0xa7: {  	s28 =	simm.s32 $_size_execute0_lowered;
	s3 =	sadd.s32 s3, s5;
	[dreg:$0x0] =	wrdreg $0x0  }
0xa8: {  	s5 =	sshll.u32 s28, $0x1;
	[dreg:$0x2] =	wrdreg s3  }
0xa9: {  	[dreg:$0x3] =	wrdreg s5  }
0xaa: {  	[dreg:$0x4] =	wrdreg $0xC0  }
0xab: {  	_ =	task [dreg:s7], $0x5FFFF  }
0xac: {  	[dreg:$0x1] =	wrdreg $0xFFFFFFFF  }
0xad: {  	[dreg:$0x0] =	wrdreg $0x60  }
0xae: {  	[dreg:$0x2] =	wrdreg s2  }
0xaf: {  	[dreg:$0x3] =	wrdreg s24  }
0xb0: {  	[dreg:$0x4] =	wrdreg $0xC6200  }
0xb1: {  	[dreg:$0x5] =	wrdreg $0x9  }
0xb2: {  	_ =	task.clear_ibuf [dreg:s7], $0x6FFFF;
	_ =	strace $0x90000049  }
0xb3: {  	s29 =	simm.s32 $0x9;
	_ =	strace $0x8000004B  }
0xb4: {  	_ =	swait.ge [sflag:s29], $0x1  }
0xb5: {  	[sflag:s29] =	ssyncadd.s32 $0xFFFFFFFF  }
0xb6: {  	_ =	strace $0x9000004B  }
0xb7: {  	_ =	sfence  }
0xb8: {  	s30 =	sld [smem:$0x0];
	_ =	sdelay $0x2  }
0xb9: {  	s31 =	sshll.u32 s1, $0xD;
	s1 =	sshrl.u32 s1, $0x2  }
0xba: {  	s3 =	sand.u32 $0x4000, s31;
	s1 =	sadd.s32 s1, s30  }
0xbb: {  	s0 =	sor.u32 s3, s0;
	s1 =	sshll.u32 s1, $0x11  }
0xbc: {  	s0 =	sor.u32 s1, s0  }
0xbd: {  	s0 =	sadd.s32 $0x8F2B, s0  }
0xbe: {  	[sflag:s0] =	ssyncadd.remote.s32 $0x1  }
0xbf: {  	_ =	sfence.sel $0xFFFF  }
0xc0: {  	[dreg:$0x0] =	wrdreg $0xFFFFFFFF;
	(pc) =	sbr.abs _section_cstart, $3  }
0xc1: {  	[dreg:$0x1] =	wrdreg $0xFFFFFFFF  }
0xc2: {  	_ =	task.clear_ibuf [dreg:s7], $0x2FFFF;
	_ =	strace $0x9FFFFFFF  }
0xc3: {  	(tm) =	ssettm $0x7FFFFFFF  }
tec
execute0_lowered:
.L_overlay_start_1:
0x0: {  	(tag) =	ssettag $0x1  }
0x1: {  	s2 =	rddreg [dreg:$0x0]  }
0x2: {  	s1 =	srdreg.scid;
	s6 =	rddreg [dreg:$0x1]  }
0x3: {  	s0 =	stileid.u32;
	s3 =	rddreg [dreg:$0x2];
	s4 =	simm.s32 $0x0  }
0x4: {  	s14 =	simm.s32 $0x2;
	s15 =	simm.s32 $0x50;
	s16 =	simm.s32 $0x4E20  }
0x5: {  	s17 =	simm.s32 $0x7620;
	s18 =	simm.s32 $0x3;
	s19 =	simm.s32 $0x9E20  }
0x6: {  	s21 =	simm.s32 $0x5;
	s22 =	simm.s32 $0x0;
	s5 =	sand.u32 $0x1, s1  }
0x7: {  	s28 =	sshll.u32 s0, $0x1;
	s8 =	smul.u32 $0x13900, s0;
	[smem:$0x7FF] =	sst s4  }
0x8: {  	s20 =	sshll.u32 s0, $0x6;
	s1 =	sor.u32 s5, s28;
	s9 =	smul.u32 $0x139000, s5  }
0x9: {  	s5 =	ssub.s32 $0x2, s5;
	s7 =	smul.u32 $0x4E2, s1;
	s1 =	rddreg [dreg:$0x3]  }
0xa: {  	_ =	strace $0x8000004A;
	s30 =	sshrl.u32 s8, $0x3;
	s31 =	sshrl.u32 s5, $0x1  }
0xb: {  	s13 =	sadd.s32 s8, s3;
	s29 =	sadd.s32 s8, s9;
	s9 =	sadd.s32 s30, s6  }
.Ltmp0:
0xc: {  	s10 =	sadd.s32 s7, s6;
	s7 =	sshrl.u32 s29, $0x3;
	(pc) =	sbr.rel .LBB2_1-.Ltmp0, $4  }
0xd: {  	s12 =	ssub.s32 s5, s31;
	s5 =	sadd.s32 $0x74200, s9;
	s11 =	sadd.s32 s7, s6  }
0xe: {  	s6 =	sor.u32 $0x1C04, s20;
	s7 =	sadd.s32 $0x3200, s10;
	s8 =	sadd.s32 $0x1C000, s10  }
0xf: {  	s10 =	smax.u32 s12, $0x1;
	s12 =	simm.s32 $0x4;
	s20 =	sor.u32 $0x1C05, s20  }
0x10: {  	s9 =	sadd.s32 $0x9B400, s11;
	s11 =	sshrl.u32 s13, $0x3;
	s13 =	simm.s32 $0x1  }
.LBB2_9:
0x11: {  	_ =	swait.ge [sflag:s12], $0x2800  }
0x12: {  	s22 =	sadd.s32 $0x1, s22;
	[sflag:s12] =	ssyncset.done $0x0  }
0x13: {  	p0 =	sne.s32 s22, s10;
	[sflag:s12] =	ssyncadd.s32 $0xFFFFD800  }
.Ltmp1:
0x14: {  	[bflag:$0x0] =	sbarrier.arrive $0xFFFF;
	(pc) =	sbr.rel @!p0 .LBB2_10-.Ltmp1, $4  }
0x15: {  	[hbm:s9], [sflag:s20] =	dma.local [spmem:s11], $0x2720  }
0x16: {  	_ =	swait.ge [sflag:s21], $0x2720  }
0x17: {  	[sflag:s21] =	ssyncset.done $0x0  }
0x18: {  	[sflag:s21] =	ssyncadd.s32 $0xFFFFD8E0  }
.LBB2_1:
0x19: {  	[spmem:s11], [sflag:s6] =	dma.local [hbm:s5], $0x2720  }
0x1a: {  	[tilespmem:s4], [sflag:$0x1] =	stream.linear.gather [hbm4b:s7+s4], $0x2710, $0x38;
	[tilespmem:$0x1FF20] =	vst v63  }
0x1b: {  	s23 =	simm.s32 $0x2710  }
0x1c: {  	[tilespmem:s23], [sflag:$0x2] =	stream.linear.gather [hbm4b:s8+s4], $0x2710, $0x38;
	[tilespmem:$0x1FF20] =	vst v63  }
0x1d: {  	_ =	swait.ge [sflag:s12], $0x2720  }
0x1e: {  	[sflag:s12] =	ssyncset.done $0x0  }
0x1f: {  	[sflag:s12] =	ssyncadd.s32 $0xFFFFD8E0  }
0x20: {  	_ =	swait.ge [sflag:s13], $0x2710  }
0x21: {  	[sflag:s13] =	ssyncset.done $0x0  }
0x22: {  	[sflag:s13] =	ssyncadd.s32 $0xFFFFD8F0  }
0x23: {  	_ =	swait.ge [sflag:s14], $0x2710  }
0x24: {  	[sflag:s14] =	ssyncset.done $0x0  }
.Ltmp2:
0x25: {  	[sflag:s14] =	ssyncadd.s32 $0xFFFFD8F0;
	(pc) =	sbr.rel .LBB2_2-.Ltmp2, $4  }
0x26: {  	[bflag:$0x0] =	sbarrier.arrive $0xFFFF  }
0x27: {  	[tilespmem:s16], [sflag:$0x1] =	stream.indirect.gather [hbm4b:s2+s15], $0x80, s4, s15, $0xb8;
	[tilespmem:$0x1FF20] =	vst v63  }
0x28: {  	s24 =	simm.s32 $0xA0;
	s25 =	simm.s32 $0x0  }
0x29: {  	[tilespmem:s17], [sflag:$0x2] =	stream.indirect.gather [hbm4b:s2+s15], $0x80, s15, s15, $0xb8;
	[tilespmem:$0x1FF20] =	vst v63  }
.LBB2_7:
0x2a: {  	_ =	swait.ge [sflag:s18], $0x2800  }
0x2b: {  	[sflag:s18] =	ssyncset.done $0x0  }
0x2c: {  	[sflag:s18] =	ssyncadd.s32 $0xFFFFD800  }
0x2d: {  	_ =	swait.ge [sflag:s12], $0x2800  }
0x2e: {  	p0 =	sgt.u32 s25, $0x7A;
	[sflag:s12] =	ssyncset.done $0x0  }
0x2f: {  	s26 =	simm.s32 @!p0 $0x50;
	s28 =	simm.s32 @!p0 $0x7620;
	[sflag:s12] =	ssyncadd.s32 $0xFFFFD800  }
0x30: {  	[tilespmem:s28], [sflag:$0x2] =	stream.indirect.gather @!p0 [hbm4b:s2+s26], $0x80, s24, s26, $0xb8;
	[tilespmem:$0x1FF20] =	vst v63  }
0x31: {  	s26 =	simm.s32 @!p0 $0x9E20  }
0x32: {  	s26 =	simm.s32 @p0 $0x9E20  }
.LBB2_8:
0x33: {  	s25 =	sadd.s32 $0x1, s25  }
0x34: {  	p0 =	sne.s32 s25, $0x7D  }
.Ltmp3:
0x35: {  	_ = 	snop;
	(pc) =	sbr.rel @!p0 .LBB2_9-.Ltmp3, $3  }
0x36: {  	_ =	sdelay $0x1  }
0x37: {  	[spmem:s3] =	stream.indirect.scatter.add.f32 [tilespmem:s26], [sflag:$0x4], $0x80, s23, s15, $0xb8;
	[tilespmem:$0x1FF20] =	vst v63  }
0x38: {  	s23 =	sadd.s32 $0x50, s23;
	s24 =	sadd.s32 $0x50, s24  }
.LBB2_2:
0x39: {  	s26 =	smul.u32 $0xAB, s25;
	_ =	sdelay $0x1  }
0x3a: {  	s26 =	sshrl.u32 s26, $0x9  }
0x3b: {  	s26 =	sand.u32 $0x7F, s26  }
0x3c: {  	s26 =	smul.u32 $0x3, s26;
	_ =	sdelay $0x1  }
0x3d: {  	s26 =	ssub.s32 s25, s26  }
0x3e: {  	s26 =	sand.u32 $0xFF, s26  }
0x3f: {  	p0 =	seq.s32 s26, $0x2  }
.Ltmp4:
0x40: {  	_ = 	snop;
	(pc) =	sbr.rel @p0 .LBB2_7-.Ltmp4, $1  }
0x41: {  	_ =	sdelay $0x3  }
0x42: {  	p0 =	seq.s32 s26, $0x1  }
.Ltmp5:
0x43: {  	_ = 	snop;
	(pc) =	sbr.rel @!p0 .LBB2_4-.Ltmp5, $1  }
0x44: {  	_ =	sdelay $0x3  }
0x45: {  	_ =	swait.ge [sflag:s14], $0x2800  }
0x46: {  	[sflag:s14] =	ssyncset.done $0x0  }
0x47: {  	[sflag:s14] =	ssyncadd.s32 $0xFFFFD800  }
0x48: {  	_ =	swait.ge [sflag:s12], $0x2800  }
.Ltmp6:
0x49: {  	p0 =	sgt.u32 s25, $0x7A;
	[sflag:s12] =	ssyncset.done $0x0;
	(pc) =	sbr.rel .LBB2_8-.Ltmp6, $4  }
0x4a: {  	s26 =	simm.s32 @!p0 $0x50;
	s28 =	simm.s32 @!p0 $0x4E20;
	[sflag:s12] =	ssyncadd.s32 $0xFFFFD800  }
0x4b: {  	[tilespmem:s28], [sflag:$0x1] =	stream.indirect.gather @!p0 [hbm4b:s2+s26], $0x80, s24, s26, $0xb8;
	[tilespmem:$0x1FF20] =	vst v63  }
0x4c: {  	s26 =	simm.s32 @!p0 $0x7620  }
0x4d: {  	s26 =	simm.s32 @p0 $0x7620  }
.LBB2_4:
0x4e: {  	p0 =	seq.s32 s25, $0x0  }
0x4f: {  	p1 =	sgt.u32 @!p0 s25, $0x7A  }
0x50: {  	_ =	swait.ge [sflag:s13], $0x2800;
	p1 =	por p0, !p1  }
.Ltmp7:
0x51: {  	[sflag:s13] =	ssyncset.done $0x0;
	(pc) =	sbr.rel @!p1 .LBB2_8-.Ltmp7, $4  }
0x52: {  	s26 =	simm.s32 @!p0 $0x4;
	[sflag:s13] =	ssyncadd.s32 $0xFFFFD800  }
0x53: {  	_ =	swait.ge @!p0 [sflag:s26], $0x2800  }
0x54: {  	[sflag:s26] =	ssyncset.done @!p0 $0x0  }
0x55: {  	[sflag:s26] =	ssyncadd.s32 @!p0 $0xFFFFD800;
	s26 =	simm.s32 @!p0 $0x4E20  }
.Ltmp8:
0x56: {  	(pc) =	sbr.rel .LBB2_8-.Ltmp8, $3  }
0x57: {  	_ =	sdelay $0x1  }
0x58: {  	[tilespmem:s19], [sflag:$0x3] =	stream.indirect.gather [hbm4b:s2+s15], $0x80, s24, s15, $0xb8;
	[tilespmem:$0x1FF20] =	vst v63  }
0x59: {  	s26 =	simm.s32 $0x4E20  }
.LBB2_10:
0x5a: {  	_ =	sfence.sel $0x180000  }
0x5b: {  	[bflag:$0x0] =	sbarrier.arrive $0xFFFF  }
0x5c: {  	p0 =	sne.s32 s0, $0x0;
	_ =	strace $0x9000004A  }
0x5d: {  	s0 =	sadd.s32 @!p0 $0x100000, s1;
	[bflag:$0x2] =	sbarrier.arrive $0xFFFF  }
0x5e: {  	[sflag:s0] =	ssyncadd.tile.s32 @!p0 $0x1;
	_ =	shalt  }
.Lfunc_end2:
_tile_overlayer_lowered:
.L_overlay_start_2:
0x5f: {  	(tag) =	ssettag $0x2  }
0x60: {  	s0 =	rddreg [dreg:$0x0];
	s2 =	stileid.u32  }
0x61: {  	s1 =	rddreg [dreg:$0x1];
	p0 =	sne.s32 s2, $0x0  }
0x62: {  	s3 =	rddreg [dreg:$0x2];
	[bflag:$0x3] =	sbarrier.arrive $0xFFFF;
	s2 =	simm.s32 @!p0 $0x1C05  }
0x63: {  	[timem:s3], [sflag:s2] =	dma.local @!p0 [hbm:s0], s1  }
0x64: {  	s0 =	simm.s32 @!p0 $0x5  }
0x65: {  	_ =	swait.ge @!p0 [sflag:s0], s1  }
0x66: {  	s1 =	ssub.s32 @!p0 $0x0, s1;
	[sflag:s0] =	ssyncset.done @!p0 $0x0  }
0x67: {  	[sflag:s0] =	ssyncadd.s32 @!p0 s1  }
0x68: {  	[bflag:$0x3] =	sbarrier.arrive $0xFFFF  }
0x69: {  	_ =	shalt  }

// kernel: kernel.14.cloned.1.call-start
scs
__scs_entry_jumppad:
0x0: {  	(pc) =	sbr.rel $0x88, $3  }
0x1: {  	(tag) =	ssettag $0x0;
	lr =	simm.s32 $0x1  }
0x2: {  	[smem:$0x3F9A] =	sst lr;
	_ =	strace $0xD0000000  }
0x3: {  	_ = 	snop  }
0x4: {  	_ = 	snop  }
0x5: {  	_ = 	snop  }
0x6: {  	_ = 	snop  }
0x7: {  	_ = 	snop  }
__scs_overlays_trampoline_lowered:
0x8: {  	[smem:$0x3FA9] =	sst s0  }
0x9: {  	[smem:$0x3FAA] =	sst s1  }
0xa: {  	[smem:$0x3FAB] =	sst s2  }
0xb: {  	[smem:$0x3FAC] =	sst s3  }
0xc: {  	[smem:$0x3FAD] =	sst s4  }
0xd: {  	[smem:$0x3FAE] =	sst s5  }
0xe: {  	[smem:$0x3FAF] =	sst s6  }
0xf: {  	[smem:$0x3FB0] =	sst s7  }
0x10: {  	[smem:$0x3FB1] =	sst s8  }
0x11: {  	[smem:$0x3FB2] =	sst s9;
	s0 =	simm.s32 @!p0 $0x0  }
0x12: {  	s1 =	sld [smem:$0x3F98];
	s0 =	simm.s32 @p0 $0x1  }
0x13: {  	[smem:$0x3FB3] =	sst s0;
	s0 =	simm.s32 @!p1 $0x0  }
0x14: {  	s2 =	sld [smem:$0x3F97];
	s0 =	simm.s32 @p1 $0x1  }
0x15: {  	[smem:$0x3FB4] =	sst s0;
	s0 =	simm.s32 @!p2 $0x0  }
0x16: {  	s3 =	sld [smem:$0x3FDB];
	s0 =	simm.s32 @p2 $0x1  }
0x17: {  	s4 =	simm.s32 $0x1BF5;
	[smem:$0x3FB6] =	sst s0  }
0x18: {  	s0 =	sld [smem:$0x3F99];
	_ =	swait.ge [sflag:s4], $0x0  }
0x19: {  	s7 =	sld [smem:$0x3F9A]  }
0x1a: {  	s8 =	sadd.s32 $0xFFFFE003, lr  }
0x1b: {  	s9 =	sadd.s32 $0xFFFFFEF7, lr;
	s5 =	simm.s32 $0xFFFFFFFF;
	p2 =	slt.u32 s8, $0xFFFFF086  }
0x1c: {  	p1 =	slt.u32 s9, $0xF7A;
	s5 =	simm.s32 @!p2 $0x0  }
0x1d: {  	s5 =	simm.s32 @p1 $0x1;
	p0 =	seq.s32 s7, s2  }
0x1e: {  	s7 =	smul.u32 @!p0 $0xF7A, s2;
	p2 =	seq.s32 @!p0 s5, $0x0  }
0x1f: {  	s9 =	smul.u32 $0xF7A, s1;
	s8 =	simm.s32 @!p0 $0x1BF5;
	p2 =	por !p2, p0  }
0x20: {  	[sflag:s8] =	ssyncset.s32 @!p0 $0xFFFFF086;
	s6 =	sadd.s32 @!p0 s3, s7;
	s7 =	simm.s32 @!p0 $0x108  }
0x21: {  	s3 =	sadd.s32 s3, s9;
	s6 =	sadd.s32 @!p0 $0x88, s6;
	s7 =	simm.s32 @p2 $0x1082  }
0x22: {  	[simem:s7], [sflag:s8] =	dma.local @!p0 [hbm:s6], $0xF7A  }
0x23: {  	s9 =	sor.u32 $0xD0000000, s2;
	s6 =	simm.s32 $0x108;
	_ =	swait.ge @!p0 [sflag:s8], $0x0  }
0x24: {  	s3 =	sadd.s32 $0x88, s3;
	s6 =	simm.s32 @!p1 $0x1082;
	[sflag:s4] =	ssyncset.s32 $0xFFFFF086  }
0x25: {  	[simem:s6], [sflag:s4] =	dma.local [hbm:s3], $0xF7A  }
0x26: {  	[smem:$0x3F9A] =	sst s1;
	(tag) =	ssettag s2;
	_ =	strace s9  }
0x27: {  	s1 =	sld [smem:$0x3FAA]  }
0x28: {  	s2 =	sld [smem:$0x3FAB]  }
0x29: {  	s4 =	sld [smem:$0x3FAD]  }
0x2a: {  	p0 =	seq.s32 s5, $0x0;
	s5 =	sld [smem:$0x3FAE]  }
0x2b: {  	s6 =	sld [smem:$0x3FAF]  }
0x2c: {  	s7 =	sld [smem:$0x3FB0]  }
0x2d: {  	s3 =	simm.s32 $0x108;
	s8 =	sld [smem:$0x3FB1]  }
0x2e: {  	s3 =	simm.s32 @!p0 $0x1082;
	s9 =	sld [smem:$0x3FB2]  }
0x2f: {  	lr =	sadd.s32 s0, s3;
	s0 =	sld [smem:$0x3FA9]  }
0x30: {  	s3 =	sld [smem:$0x3FAC]  }
0x31: {  	[smem:$0x3FB5] =	sst s10  }
0x32: {  	s10 =	sld [smem:$0x3FB3];
	_ =	sdelay $0x3  }
0x33: {  	p0 =	seq.s32 s10, $0x1;
	s10 =	sld [smem:$0x3FB5];
	_ =	sdelay $0x3  }
0x34: {  	[smem:$0x3FB5] =	sst s10  }
0x35: {  	s10 =	sld [smem:$0x3FB4];
	_ =	sdelay $0x3  }
0x36: {  	p1 =	seq.s32 s10, $0x1;
	s10 =	sld [smem:$0x3FB5];
	_ =	sdelay $0x3  }
0x37: {  	[smem:$0x3FB5] =	sst s10  }
0x38: {  	s10 =	sld [smem:$0x3FB6]  }
0x39: {  	_ = 	snop;
	(pc) =	sbr.ind lr, $3  }
0x3a: {  	_ = 	snop  }
0x3b: {  	_ = 	snop  }
0x3c: {  	p2 =	seq.s32 s10, $0x1;
	s10 =	sld [smem:$0x3FB5]  }
0x3d: {  	_ =	shalt  }
0x3e: {  	_ =	shalt  }
0x3f: {  	_ =	shalt  }
0x40: {  	_ =	shalt  }
0x41: {  	_ =	shalt  }
0x42: {  	_ =	shalt  }
0x43: {  	_ =	shalt  }
0x44: {  	_ =	shalt  }
0x45: {  	_ =	shalt  }
0x46: {  	_ =	shalt  }
0x47: {  	_ =	shalt  }
0x48: {  	_ =	shalt  }
0x49: {  	_ =	shalt  }
0x4a: {  	_ =	shalt  }
0x4b: {  	_ =	shalt  }
0x4c: {  	_ =	shalt  }
0x4d: {  	_ =	shalt  }
0x4e: {  	_ =	shalt  }
0x4f: {  	_ =	shalt  }
0x50: {  	_ =	shalt  }
0x51: {  	_ =	shalt  }
0x52: {  	_ =	shalt  }
0x53: {  	_ =	shalt  }
0x54: {  	_ =	shalt  }
0x55: {  	_ =	shalt  }
0x56: {  	_ =	shalt  }
0x57: {  	_ =	shalt  }
0x58: {  	_ =	shalt  }
0x59: {  	_ =	shalt  }
0x5a: {  	_ =	shalt  }
0x5b: {  	_ =	shalt  }
0x5c: {  	_ =	shalt  }
0x5d: {  	_ =	shalt  }
0x5e: {  	_ =	shalt  }
0x5f: {  	_ =	shalt  }
0x60: {  	_ =	shalt  }
0x61: {  	_ =	shalt  }
0x62: {  	_ =	shalt  }
0x63: {  	_ =	shalt  }
0x64: {  	_ =	shalt  }
0x65: {  	_ =	shalt  }
0x66: {  	_ =	shalt  }
0x67: {  	_ =	shalt  }
0x68: {  	_ =	shalt  }
0x69: {  	_ =	shalt  }
0x6a: {  	_ =	shalt  }
0x6b: {  	_ =	shalt  }
0x6c: {  	_ =	shalt  }
0x6d: {  	_ =	shalt  }
0x6e: {  	_ =	shalt  }
0x6f: {  	_ =	shalt  }
0x70: {  	_ =	shalt  }
0x71: {  	_ =	shalt  }
0x72: {  	_ =	shalt  }
0x73: {  	_ =	shalt  }
0x74: {  	_ =	shalt  }
0x75: {  	_ =	shalt  }
0x76: {  	_ =	shalt  }
0x77: {  	_ =	shalt  }
0x78: {  	_ =	shalt  }
0x79: {  	_ =	shalt  }
0x7a: {  	_ =	shalt  }
0x7b: {  	_ =	shalt  }
0x7c: {  	_ =	shalt  }
0x7d: {  	_ =	shalt  }
0x7e: {  	_ =	shalt  }
0x7f: {  	_ =	shalt  }
0x80: {  	_ =	shalt  }
0x81: {  	_ =	shalt  }
0x82: {  	_ =	shalt  }
0x83: {  	_ =	shalt  }
0x84: {  	_ =	shalt  }
0x85: {  	_ =	shalt  }
0x86: {  	_ =	shalt  }
0x87: {  	_ =	shalt  }
.Lfunc_end0:
.L_simem_size_0:
called_computation.2_lowered:
.L_overlay_start_0:
0x88: {  	s2 =	sld [smem:$0x3FD9]  }
0x89: {  	s3 =	sld [smem:$0x3FFE];
	_ =	sdelay $0x1  }
0x8a: {  	s1 =	srdreg.scid  }
0x8b: {  	s0 =	sand.u32 $0x1, s1  }
0x8c: {  	s17 =	sshll.u32 s0, $0xA;
	s2 =	sadd.s32 s3, s2  }
0x8d: {  	s2 =	sadd.s32 s2, s17  }
0x8e: {  	[smem:$0x3FC1] =	sst s2  }
0x8f: {  	_ = 	snop  }
0x90: {  	s2 =	sld [smem:$0x3FD0];
	(tm) =	ssettm $0x1  }
0x91: {  	s18 =	sld [smem:$0x3FFB];
	_ =	sdelay $0x3  }
0x92: {  	_ =	strace s18  }
0x93: {  	s3 =	sld [smem:$0x3FFC];
	_ =	sdelay $0x3  }
0x94: {  	_ =	strace s3  }
0x95: {  	s3 =	sld [smem:$0x3FFD];
	_ =	sdelay $0x3  }
0x96: {  	_ =	strace s3  }
0x97: {  	_ =	strace $0x8FFFFFFF  }
0x98: {  	s19 =	sld [smem:$0x3FDB];
	_ =	sdelay $0x1  }
0x99: {  	s4 =	simm.s32 $_scs_section_size  }
0x9a: {  	s5 =	simm.s32 $_size__tile_overlayer_lowered;
	s6 =	simm.s32 $_tile_overlayer_lowered  }
0x9b: {  	s22 =	simm.s32 $0x1BFF;
	s21 =	sshll.u32 s6, $0x1;
	s3 =	sadd.s32 s4, s19  }
0x9c: {  	s7 =	simm.s32 $0x0;
	s20 =	sshll.u32 s5, $0x1;
	s5 =	sadd.s32 s21, s3  }
0x9d: {  	[timem:s7], [sflag:s22] =	dma.local [hbm:s5], s20  }
0x9e: {  	_ =	swait.ge [sflag:s22], s20  }
0x9f: {  	s4 =	ssub.s32 $0x0, s20;
	[sflag:s22] =	ssyncset.done $0x0  }
0xa0: {  	[sflag:s22] =	ssyncadd.s32 s4;
	_ =	sdelay $0x1  }
0xa1: {  	s23 =	simm.s32 $0x1B8B  }
0xa2: {  	_ =	swait.ge [sflag:s23], $0x1  }
0xa3: {  	[sflag:s23] =	ssyncset.done $0x0  }
0xa4: {  	s25 =	simm.s32 $0x1B8E;
	s24 =	sld [smem:$0x3FFE];
	[sflag:s23] =	ssyncadd.s32 $0xFFFFFFFF  }
0xa5: {  	s26 =	simm.s32 $execute0_lowered;
	[smem:$0x3FD2] =	sst s25  }
0xa6: {  	s5 =	sshll.u32 s26, $0x1;
	_ =	strace $0x8000004C;
	[dreg:$0x1] =	wrdreg $0xFFFFFFFF  }
0xa7: {  	s28 =	simm.s32 $_size_execute0_lowered;
	s3 =	sadd.s32 s3, s5;
	[dreg:$0x0] =	wrdreg $0x0  }
0xa8: {  	s5 =	sshll.u32 s28, $0x1;
	[dreg:$0x2] =	wrdreg s3  }
0xa9: {  	[dreg:$0x3] =	wrdreg s5  }
0xaa: {  	[dreg:$0x4] =	wrdreg $0xC0  }
0xab: {  	_ =	task [dreg:s7], $0x5FFFF  }
0xac: {  	[dreg:$0x1] =	wrdreg $0xFFFFFFFF  }
0xad: {  	[dreg:$0x0] =	wrdreg $0x60  }
0xae: {  	[dreg:$0x2] =	wrdreg s2  }
0xaf: {  	[dreg:$0x3] =	wrdreg s24  }
0xb0: {  	[dreg:$0x4] =	wrdreg $0xC6200  }
0xb1: {  	[dreg:$0x5] =	wrdreg $0x9  }
0xb2: {  	_ =	task.clear_ibuf [dreg:s7], $0x6FFFF;
	_ =	strace $0x9000004C  }
0xb3: {  	s29 =	simm.s32 $0x9;
	_ =	strace $0x8000004E  }
0xb4: {  	_ =	swait.ge [sflag:s29], $0x1  }
0xb5: {  	[sflag:s29] =	ssyncadd.s32 $0xFFFFFFFF  }
0xb6: {  	_ =	strace $0x9000004E  }
0xb7: {  	_ =	sfence  }
0xb8: {  	s30 =	sld [smem:$0x0];
	_ =	sdelay $0x2  }
0xb9: {  	s31 =	sshll.u32 s1, $0xD;
	s1 =	sshrl.u32 s1, $0x2  }
0xba: {  	s3 =	sand.u32 $0x4000, s31;
	s1 =	sadd.s32 s1, s30  }
0xbb: {  	s0 =	sor.u32 s3, s0;
	s1 =	sshll.u32 s1, $0x11  }
0xbc: {  	s0 =	sor.u32 s1, s0  }
0xbd: {  	s0 =	sadd.s32 $0x8F2B, s0  }
0xbe: {  	[sflag:s0] =	ssyncadd.remote.s32 $0x1  }
0xbf: {  	_ =	sfence.sel $0xFFFF  }
0xc0: {  	[dreg:$0x0] =	wrdreg $0xFFFFFFFF;
	(pc) =	sbr.abs _section_cstart, $3  }
0xc1: {  	[dreg:$0x1] =	wrdreg $0xFFFFFFFF  }
0xc2: {  	_ =	task.clear_ibuf [dreg:s7], $0x2FFFF;
	_ =	strace $0x9FFFFFFF  }
0xc3: {  	(tm) =	ssettm $0x7FFFFFFF  }
tec
execute0_lowered:
.L_overlay_start_1:
0x0: {  	(tag) =	ssettag $0x1  }
0x1: {  	s2 =	rddreg [dreg:$0x0]  }
0x2: {  	s1 =	srdreg.scid;
	s6 =	rddreg [dreg:$0x1]  }
0x3: {  	s0 =	stileid.u32;
	s3 =	rddreg [dreg:$0x2];
	s4 =	simm.s32 $0x0  }
0x4: {  	s14 =	simm.s32 $0x2;
	s15 =	simm.s32 $0x50;
	s16 =	simm.s32 $0x4E20  }
0x5: {  	s17 =	simm.s32 $0x7620;
	s18 =	simm.s32 $0x3;
	s19 =	simm.s32 $0x9E20  }
0x6: {  	s21 =	simm.s32 $0x5;
	s22 =	simm.s32 $0x0;
	s5 =	sand.u32 $0x1, s1  }
0x7: {  	s28 =	sshll.u32 s0, $0x1;
	s8 =	smul.u32 $0x13900, s0;
	[smem:$0x7FF] =	sst s4  }
0x8: {  	s20 =	sshll.u32 s0, $0x6;
	s1 =	sor.u32 s5, s28;
	s9 =	smul.u32 $0x139000, s5  }
0x9: {  	s5 =	ssub.s32 $0x2, s5;
	s7 =	smul.u32 $0x4E2, s1;
	s1 =	rddreg [dreg:$0x3]  }
0xa: {  	_ =	strace $0x8000004D;
	s30 =	sshrl.u32 s8, $0x3;
	s31 =	sshrl.u32 s5, $0x1  }
0xb: {  	s13 =	sadd.s32 s8, s3;
	s29 =	sadd.s32 s8, s9;
	s9 =	sadd.s32 s30, s6  }
.Ltmp0:
0xc: {  	s10 =	sadd.s32 s7, s6;
	s7 =	sshrl.u32 s29, $0x3;
	(pc) =	sbr.rel .LBB2_1-.Ltmp0, $4  }
0xd: {  	s12 =	ssub.s32 s5, s31;
	s5 =	sadd.s32 $0x74200, s9;
	s11 =	sadd.s32 s7, s6  }
0xe: {  	s6 =	sor.u32 $0x1C04, s20;
	s7 =	sadd.s32 $0x3200, s10;
	s8 =	sadd.s32 $0x1C000, s10  }
0xf: {  	s10 =	smax.u32 s12, $0x1;
	s12 =	simm.s32 $0x4;
	s20 =	sor.u32 $0x1C05, s20  }
0x10: {  	s9 =	sadd.s32 $0x9B400, s11;
	s11 =	sshrl.u32 s13, $0x3;
	s13 =	simm.s32 $0x1  }
.LBB2_9:
0x11: {  	_ =	swait.ge [sflag:s12], $0x2800  }
0x12: {  	s22 =	sadd.s32 $0x1, s22;
	[sflag:s12] =	ssyncset.done $0x0  }
0x13: {  	p0 =	sne.s32 s22, s10;
	[sflag:s12] =	ssyncadd.s32 $0xFFFFD800  }
.Ltmp1:
0x14: {  	[bflag:$0x0] =	sbarrier.arrive $0xFFFF;
	(pc) =	sbr.rel @!p0 .LBB2_10-.Ltmp1, $4  }
0x15: {  	[hbm:s9], [sflag:s20] =	dma.local [spmem:s11], $0x2720  }
0x16: {  	_ =	swait.ge [sflag:s21], $0x2720  }
0x17: {  	[sflag:s21] =	ssyncset.done $0x0  }
0x18: {  	[sflag:s21] =	ssyncadd.s32 $0xFFFFD8E0  }
.LBB2_1:
0x19: {  	[spmem:s11], [sflag:s6] =	dma.local [hbm:s5], $0x2720  }
0x1a: {  	[tilespmem:s4], [sflag:$0x1] =	stream.linear.gather [hbm4b:s7+s4], $0x2710, $0x38;
	[tilespmem:$0x1FF20] =	vst v63  }
0x1b: {  	s23 =	simm.s32 $0x2710  }
0x1c: {  	[tilespmem:s23], [sflag:$0x2] =	stream.linear.gather [hbm4b:s8+s4], $0x2710, $0x38;
	[tilespmem:$0x1FF20] =	vst v63  }
0x1d: {  	_ =	swait.ge [sflag:s12], $0x2720  }
0x1e: {  	[sflag:s12] =	ssyncset.done $0x0  }
0x1f: {  	[sflag:s12] =	ssyncadd.s32 $0xFFFFD8E0  }
0x20: {  	_ =	swait.ge [sflag:s13], $0x2710  }
0x21: {  	[sflag:s13] =	ssyncset.done $0x0  }
0x22: {  	[sflag:s13] =	ssyncadd.s32 $0xFFFFD8F0  }
0x23: {  	_ =	swait.ge [sflag:s14], $0x2710  }
0x24: {  	[sflag:s14] =	ssyncset.done $0x0  }
.Ltmp2:
0x25: {  	[sflag:s14] =	ssyncadd.s32 $0xFFFFD8F0;
	(pc) =	sbr.rel .LBB2_2-.Ltmp2, $4  }
0x26: {  	[bflag:$0x0] =	sbarrier.arrive $0xFFFF  }
0x27: {  	[tilespmem:s16], [sflag:$0x1] =	stream.indirect.gather [hbm4b:s2+s15], $0x80, s4, s15, $0xb8;
	[tilespmem:$0x1FF20] =	vst v63  }
0x28: {  	s24 =	simm.s32 $0xA0;
	s25 =	simm.s32 $0x0  }
0x29: {  	[tilespmem:s17], [sflag:$0x2] =	stream.indirect.gather [hbm4b:s2+s15], $0x80, s15, s15, $0xb8;
	[tilespmem:$0x1FF20] =	vst v63  }
.LBB2_7:
0x2a: {  	_ =	swait.ge [sflag:s18], $0x2800  }
0x2b: {  	[sflag:s18] =	ssyncset.done $0x0  }
0x2c: {  	[sflag:s18] =	ssyncadd.s32 $0xFFFFD800  }
0x2d: {  	_ =	swait.ge [sflag:s12], $0x2800  }
0x2e: {  	p0 =	sgt.u32 s25, $0x7A;
	[sflag:s12] =	ssyncset.done $0x0  }
0x2f: {  	s26 =	simm.s32 @!p0 $0x50;
	s28 =	simm.s32 @!p0 $0x7620;
	[sflag:s12] =	ssyncadd.s32 $0xFFFFD800  }
0x30: {  	[tilespmem:s28], [sflag:$0x2] =	stream.indirect.gather @!p0 [hbm4b:s2+s26], $0x80, s24, s26, $0xb8;
	[tilespmem:$0x1FF20] =	vst v63  }
0x31: {  	s26 =	simm.s32 @!p0 $0x9E20  }
0x32: {  	s26 =	simm.s32 @p0 $0x9E20  }
.LBB2_8:
0x33: {  	s25 =	sadd.s32 $0x1, s25  }
0x34: {  	p0 =	sne.s32 s25, $0x7D  }
.Ltmp3:
0x35: {  	_ = 	snop;
	(pc) =	sbr.rel @!p0 .LBB2_9-.Ltmp3, $3  }
0x36: {  	_ =	sdelay $0x1  }
0x37: {  	[spmem:s3] =	stream.indirect.scatter.add.f32 [tilespmem:s26], [sflag:$0x4], $0x80, s23, s15, $0xb8;
	[tilespmem:$0x1FF20] =	vst v63  }
0x38: {  	s23 =	sadd.s32 $0x50, s23;
	s24 =	sadd.s32 $0x50, s24  }
.LBB2_2:
0x39: {  	s26 =	smul.u32 $0xAB, s25;
	_ =	sdelay $0x1  }
0x3a: {  	s26 =	sshrl.u32 s26, $0x9  }
0x3b: {  	s26 =	sand.u32 $0x7F, s26  }
0x3c: {  	s26 =	smul.u32 $0x3, s26;
	_ =	sdelay $0x1  }
0x3d: {  	s26 =	ssub.s32 s25, s26  }
0x3e: {  	s26 =	sand.u32 $0xFF, s26  }
0x3f: {  	p0 =	seq.s32 s26, $0x2  }
.Ltmp4:
0x40: {  	_ = 	snop;
	(pc) =	sbr.rel @p0 .LBB2_7-.Ltmp4, $1  }
0x41: {  	_ =	sdelay $0x3  }
0x42: {  	p0 =	seq.s32 s26, $0x1  }
.Ltmp5:
0x43: {  	_ = 	snop;
	(pc) =	sbr.rel @!p0 .LBB2_4-.Ltmp5, $1  }
0x44: {  	_ =	sdelay $0x3  }
0x45: {  	_ =	swait.ge [sflag:s14], $0x2800  }
0x46: {  	[sflag:s14] =	ssyncset.done $0x0  }
0x47: {  	[sflag:s14] =	ssyncadd.s32 $0xFFFFD800  }
0x48: {  	_ =	swait.ge [sflag:s12], $0x2800  }
.Ltmp6:
0x49: {  	p0 =	sgt.u32 s25, $0x7A;
	[sflag:s12] =	ssyncset.done $0x0;
	(pc) =	sbr.rel .LBB2_8-.Ltmp6, $4  }
0x4a: {  	s26 =	simm.s32 @!p0 $0x50;
	s28 =	simm.s32 @!p0 $0x4E20;
	[sflag:s12] =	ssyncadd.s32 $0xFFFFD800  }
0x4b: {  	[tilespmem:s28], [sflag:$0x1] =	stream.indirect.gather @!p0 [hbm4b:s2+s26], $0x80, s24, s26, $0xb8;
	[tilespmem:$0x1FF20] =	vst v63  }
0x4c: {  	s26 =	simm.s32 @!p0 $0x7620  }
0x4d: {  	s26 =	simm.s32 @p0 $0x7620  }
.LBB2_4:
0x4e: {  	p0 =	seq.s32 s25, $0x0  }
0x4f: {  	p1 =	sgt.u32 @!p0 s25, $0x7A  }
0x50: {  	_ =	swait.ge [sflag:s13], $0x2800;
	p1 =	por p0, !p1  }
.Ltmp7:
0x51: {  	[sflag:s13] =	ssyncset.done $0x0;
	(pc) =	sbr.rel @!p1 .LBB2_8-.Ltmp7, $4  }
0x52: {  	s26 =	simm.s32 @!p0 $0x4;
	[sflag:s13] =	ssyncadd.s32 $0xFFFFD800  }
0x53: {  	_ =	swait.ge @!p0 [sflag:s26], $0x2800  }
0x54: {  	[sflag:s26] =	ssyncset.done @!p0 $0x0  }
0x55: {  	[sflag:s26] =	ssyncadd.s32 @!p0 $0xFFFFD800;
	s26 =	simm.s32 @!p0 $0x4E20  }
.Ltmp8:
0x56: {  	(pc) =	sbr.rel .LBB2_8-.Ltmp8, $3  }
0x57: {  	_ =	sdelay $0x1  }
0x58: {  	[tilespmem:s19], [sflag:$0x3] =	stream.indirect.gather [hbm4b:s2+s15], $0x80, s24, s15, $0xb8;
	[tilespmem:$0x1FF20] =	vst v63  }
0x59: {  	s26 =	simm.s32 $0x4E20  }
.LBB2_10:
0x5a: {  	_ =	sfence.sel $0x180000  }
0x5b: {  	[bflag:$0x0] =	sbarrier.arrive $0xFFFF  }
0x5c: {  	p0 =	sne.s32 s0, $0x0;
	_ =	strace $0x9000004D  }
0x5d: {  	s0 =	sadd.s32 @!p0 $0x100000, s1;
	[bflag:$0x2] =	sbarrier.arrive $0xFFFF  }
0x5e: {  	[sflag:s0] =	ssyncadd.tile.s32 @!p0 $0x1;
	_ =	shalt  }
.Lfunc_end2:
_tile_overlayer_lowered:
.L_overlay_start_2:
0x5f: {  	(tag) =	ssettag $0x2  }
0x60: {  	s0 =	rddreg [dreg:$0x0];
	s2 =	stileid.u32  }
0x61: {  	s1 =	rddreg [dreg:$0x1];
	p0 =	sne.s32 s2, $0x0  }
0x62: {  	s3 =	rddreg [dreg:$0x2];
	[bflag:$0x3] =	sbarrier.arrive $0xFFFF;
	s2 =	simm.s32 @!p0 $0x1C05  }
0x63: {  	[timem:s3], [sflag:s2] =	dma.local @!p0 [hbm:s0], s1  }
0x64: {  	s0 =	simm.s32 @!p0 $0x5  }
0x65: {  	_ =	swait.ge @!p0 [sflag:s0], s1  }
0x66: {  	s1 =	ssub.s32 @!p0 $0x0, s1;
	[sflag:s0] =	ssyncset.done @!p0 $0x0  }
0x67: {  	[sflag:s0] =	ssyncadd.s32 @!p0 s1  }
0x68: {  	[bflag:$0x3] =	sbarrier.arrive $0xFFFF  }
0x69: {  	_ =	shalt  }

// kernel: kernel.8.cloned.1.call-start
scs
__scs_entry_jumppad:
0x0: {  	(pc) =	sbr.rel $0x88, $3  }
0x1: {  	(tag) =	ssettag $0x0;
	lr =	simm.s32 $0x1  }
0x2: {  	[smem:$0x3F9A] =	sst lr;
	_ =	strace $0xD0000000  }
0x3: {  	_ = 	snop  }
0x4: {  	_ = 	snop  }
0x5: {  	_ = 	snop  }
0x6: {  	_ = 	snop  }
0x7: {  	_ = 	snop  }
__scs_overlays_trampoline_lowered:
0x8: {  	[smem:$0x3FA9] =	sst s0  }
0x9: {  	[smem:$0x3FAA] =	sst s1  }
0xa: {  	[smem:$0x3FAB] =	sst s2  }
0xb: {  	[smem:$0x3FAC] =	sst s3  }
0xc: {  	[smem:$0x3FAD] =	sst s4  }
0xd: {  	[smem:$0x3FAE] =	sst s5  }
0xe: {  	[smem:$0x3FAF] =	sst s6  }
0xf: {  	[smem:$0x3FB0] =	sst s7  }
0x10: {  	[smem:$0x3FB1] =	sst s8  }
0x11: {  	[smem:$0x3FB2] =	sst s9;
	s0 =	simm.s32 @!p0 $0x0  }
0x12: {  	s1 =	sld [smem:$0x3F98];
	s0 =	simm.s32 @p0 $0x1  }
0x13: {  	[smem:$0x3FB3] =	sst s0;
	s0 =	simm.s32 @!p1 $0x0  }
0x14: {  	s2 =	sld [smem:$0x3F97];
	s0 =	simm.s32 @p1 $0x1  }
0x15: {  	[smem:$0x3FB4] =	sst s0;
	s0 =	simm.s32 @!p2 $0x0  }
0x16: {  	s3 =	sld [smem:$0x3FDB];
	s0 =	simm.s32 @p2 $0x1  }
0x17: {  	s4 =	simm.s32 $0x1BF5;
	[smem:$0x3FB6] =	sst s0  }
0x18: {  	s0 =	sld [smem:$0x3F99];
	_ =	swait.ge [sflag:s4], $0x0  }
0x19: {  	s7 =	sld [smem:$0x3F9A]  }
0x1a: {  	s8 =	sadd.s32 $0xFFFFE003, lr  }
0x1b: {  	s9 =	sadd.s32 $0xFFFFFEF7, lr;
	s5 =	simm.s32 $0xFFFFFFFF;
	p2 =	slt.u32 s8, $0xFFFFF086  }
0x1c: {  	p1 =	slt.u32 s9, $0xF7A;
	s5 =	simm.s32 @!p2 $0x0  }
0x1d: {  	s5 =	simm.s32 @p1 $0x1;
	p0 =	seq.s32 s7, s2  }
0x1e: {  	s7 =	smul.u32 @!p0 $0xF7A, s2;
	p2 =	seq.s32 @!p0 s5, $0x0  }
0x1f: {  	s9 =	smul.u32 $0xF7A, s1;
	s8 =	simm.s32 @!p0 $0x1BF5;
	p2 =	por !p2, p0  }
0x20: {  	[sflag:s8] =	ssyncset.s32 @!p0 $0xFFFFF086;
	s6 =	sadd.s32 @!p0 s3, s7;
	s7 =	simm.s32 @!p0 $0x108  }
0x21: {  	s3 =	sadd.s32 s3, s9;
	s6 =	sadd.s32 @!p0 $0x88, s6;
	s7 =	simm.s32 @p2 $0x1082  }
0x22: {  	[simem:s7], [sflag:s8] =	dma.local @!p0 [hbm:s6], $0xF7A  }
0x23: {  	s9 =	sor.u32 $0xD0000000, s2;
	s6 =	simm.s32 $0x108;
	_ =	swait.ge @!p0 [sflag:s8], $0x0  }
0x24: {  	s3 =	sadd.s32 $0x88, s3;
	s6 =	simm.s32 @!p1 $0x1082;
	[sflag:s4] =	ssyncset.s32 $0xFFFFF086  }
0x25: {  	[simem:s6], [sflag:s4] =	dma.local [hbm:s3], $0xF7A  }
0x26: {  	[smem:$0x3F9A] =	sst s1;
	(tag) =	ssettag s2;
	_ =	strace s9  }
0x27: {  	s1 =	sld [smem:$0x3FAA]  }
0x28: {  	s2 =	sld [smem:$0x3FAB]  }
0x29: {  	s4 =	sld [smem:$0x3FAD]  }
0x2a: {  	p0 =	seq.s32 s5, $0x0;
	s5 =	sld [smem:$0x3FAE]  }
0x2b: {  	s6 =	sld [smem:$0x3FAF]  }
0x2c: {  	s7 =	sld [smem:$0x3FB0]  }
0x2d: {  	s3 =	simm.s32 $0x108;
	s8 =	sld [smem:$0x3FB1]  }
0x2e: {  	s3 =	simm.s32 @!p0 $0x1082;
	s9 =	sld [smem:$0x3FB2]  }
0x2f: {  	lr =	sadd.s32 s0, s3;
	s0 =	sld [smem:$0x3FA9]  }
0x30: {  	s3 =	sld [smem:$0x3FAC]  }
0x31: {  	[smem:$0x3FB5] =	sst s10  }
0x32: {  	s10 =	sld [smem:$0x3FB3];
	_ =	sdelay $0x3  }
0x33: {  	p0 =	seq.s32 s10, $0x1;
	s10 =	sld [smem:$0x3FB5];
	_ =	sdelay $0x3  }
0x34: {  	[smem:$0x3FB5] =	sst s10  }
0x35: {  	s10 =	sld [smem:$0x3FB4];
	_ =	sdelay $0x3  }
0x36: {  	p1 =	seq.s32 s10, $0x1;
	s10 =	sld [smem:$0x3FB5];
	_ =	sdelay $0x3  }
0x37: {  	[smem:$0x3FB5] =	sst s10  }
0x38: {  	s10 =	sld [smem:$0x3FB6]  }
0x39: {  	_ = 	snop;
	(pc) =	sbr.ind lr, $3  }
0x3a: {  	_ = 	snop  }
0x3b: {  	_ = 	snop  }
0x3c: {  	p2 =	seq.s32 s10, $0x1;
	s10 =	sld [smem:$0x3FB5]  }
0x3d: {  	_ =	shalt  }
0x3e: {  	_ =	shalt  }
0x3f: {  	_ =	shalt  }
0x40: {  	_ =	shalt  }
0x41: {  	_ =	shalt  }
0x42: {  	_ =	shalt  }
0x43: {  	_ =	shalt  }
0x44: {  	_ =	shalt  }
0x45: {  	_ =	shalt  }
0x46: {  	_ =	shalt  }
0x47: {  	_ =	shalt  }
0x48: {  	_ =	shalt  }
0x49: {  	_ =	shalt  }
0x4a: {  	_ =	shalt  }
0x4b: {  	_ =	shalt  }
0x4c: {  	_ =	shalt  }
0x4d: {  	_ =	shalt  }
0x4e: {  	_ =	shalt  }
0x4f: {  	_ =	shalt  }
0x50: {  	_ =	shalt  }
0x51: {  	_ =	shalt  }
0x52: {  	_ =	shalt  }
0x53: {  	_ =	shalt  }
0x54: {  	_ =	shalt  }
0x55: {  	_ =	shalt  }
0x56: {  	_ =	shalt  }
0x57: {  	_ =	shalt  }
0x58: {  	_ =	shalt  }
0x59: {  	_ =	shalt  }
0x5a: {  	_ =	shalt  }
0x5b: {  	_ =	shalt  }
0x5c: {  	_ =	shalt  }
0x5d: {  	_ =	shalt  }
0x5e: {  	_ =	shalt  }
0x5f: {  	_ =	shalt  }
0x60: {  	_ =	shalt  }
0x61: {  	_ =	shalt  }
0x62: {  	_ =	shalt  }
0x63: {  	_ =	shalt  }
0x64: {  	_ =	shalt  }
0x65: {  	_ =	shalt  }
0x66: {  	_ =	shalt  }
0x67: {  	_ =	shalt  }
0x68: {  	_ =	shalt  }
0x69: {  	_ =	shalt  }
0x6a: {  	_ =	shalt  }
0x6b: {  	_ =	shalt  }
0x6c: {  	_ =	shalt  }
0x6d: {  	_ =	shalt  }
0x6e: {  	_ =	shalt  }
0x6f: {  	_ =	shalt  }
0x70: {  	_ =	shalt  }
0x71: {  	_ =	shalt  }
0x72: {  	_ =	shalt  }
0x73: {  	_ =	shalt  }
0x74: {  	_ =	shalt  }
0x75: {  	_ =	shalt  }
0x76: {  	_ =	shalt  }
0x77: {  	_ =	shalt  }
0x78: {  	_ =	shalt  }
0x79: {  	_ =	shalt  }
0x7a: {  	_ =	shalt  }
0x7b: {  	_ =	shalt  }
0x7c: {  	_ =	shalt  }
0x7d: {  	_ =	shalt  }
0x7e: {  	_ =	shalt  }
0x7f: {  	_ =	shalt  }
0x80: {  	_ =	shalt  }
0x81: {  	_ =	shalt  }
0x82: {  	_ =	shalt  }
0x83: {  	_ =	shalt  }
0x84: {  	_ =	shalt  }
0x85: {  	_ =	shalt  }
0x86: {  	_ =	shalt  }
0x87: {  	_ =	shalt  }
.Lfunc_end0:
.L_simem_size_0:
called_computation_lowered:
.L_overlay_start_0:
0x88: {  	s2 =	sld [smem:$0x3FD9]  }
0x89: {  	s3 =	sld [smem:$0x3FFE];
	_ =	sdelay $0x1  }
0x8a: {  	s1 =	srdreg.scid  }
0x8b: {  	s0 =	sand.u32 $0x1, s1  }
0x8c: {  	s17 =	sshll.u32 s0, $0xA;
	s2 =	sadd.s32 s3, s2  }
0x8d: {  	s2 =	sadd.s32 s2, s17  }
0x8e: {  	[smem:$0x3FC1] =	sst s2  }
0x8f: {  	_ = 	snop  }
0x90: {  	s2 =	sld [smem:$0x3FD0];
	(tm) =	ssettm $0x1  }
0x91: {  	s18 =	sld [smem:$0x3FFB];
	_ =	sdelay $0x3  }
0x92: {  	_ =	strace s18  }
0x93: {  	s3 =	sld [smem:$0x3FFC];
	_ =	sdelay $0x3  }
0x94: {  	_ =	strace s3  }
0x95: {  	s3 =	sld [smem:$0x3FFD];
	_ =	sdelay $0x3  }
0x96: {  	_ =	strace s3  }
0x97: {  	_ =	strace $0x8FFFFFFF  }
0x98: {  	s19 =	sld [smem:$0x3FDB];
	_ =	sdelay $0x1  }
0x99: {  	s4 =	simm.s32 $_scs_section_size  }
0x9a: {  	s5 =	simm.s32 $_size__tile_overlayer_lowered;
	s6 =	simm.s32 $_tile_overlayer_lowered  }
0x9b: {  	s22 =	simm.s32 $0x1BFF;
	s21 =	sshll.u32 s6, $0x1;
	s3 =	sadd.s32 s4, s19  }
0x9c: {  	s7 =	simm.s32 $0x0;
	s20 =	sshll.u32 s5, $0x1;
	s5 =	sadd.s32 s21, s3  }
0x9d: {  	[timem:s7], [sflag:s22] =	dma.local [hbm:s5], s20  }
0x9e: {  	_ =	swait.ge [sflag:s22], s20  }
0x9f: {  	s4 =	ssub.s32 $0x0, s20;
	[sflag:s22] =	ssyncset.done $0x0  }
0xa0: {  	[sflag:s22] =	ssyncadd.s32 s4;
	_ =	sdelay $0x1  }
0xa1: {  	s23 =	simm.s32 $0x1B8B  }
0xa2: {  	_ =	swait.ge [sflag:s23], $0x1  }
0xa3: {  	[sflag:s23] =	ssyncset.done $0x0  }
0xa4: {  	s25 =	simm.s32 $0x1B8E;
	s24 =	sld [smem:$0x3FFE];
	[sflag:s23] =	ssyncadd.s32 $0xFFFFFFFF  }
0xa5: {  	s26 =	simm.s32 $execute0_lowered;
	[smem:$0x3FD2] =	sst s25  }
0xa6: {  	s5 =	sshll.u32 s26, $0x1;
	_ =	strace $0x80000046;
	[dreg:$0x1] =	wrdreg $0xFFFFFFFF  }
0xa7: {  	s28 =	simm.s32 $_size_execute0_lowered;
	s3 =	sadd.s32 s3, s5;
	[dreg:$0x0] =	wrdreg $0x0  }
0xa8: {  	s5 =	sshll.u32 s28, $0x1;
	[dreg:$0x2] =	wrdreg s3  }
0xa9: {  	[dreg:$0x3] =	wrdreg s5  }
0xaa: {  	[dreg:$0x4] =	wrdreg $0xC0  }
0xab: {  	_ =	task [dreg:s7], $0x5FFFF  }
0xac: {  	[dreg:$0x1] =	wrdreg $0xFFFFFFFF  }
0xad: {  	[dreg:$0x0] =	wrdreg $0x60  }
0xae: {  	[dreg:$0x2] =	wrdreg s24  }
0xaf: {  	[dreg:$0x3] =	wrdreg s2  }
0xb0: {  	[dreg:$0x4] =	wrdreg $0xA1400  }
0xb1: {  	[dreg:$0x5] =	wrdreg $0x9  }
0xb2: {  	_ =	task.clear_ibuf [dreg:s7], $0x6FFFF;
	_ =	strace $0x90000046  }
0xb3: {  	s29 =	simm.s32 $0x9;
	_ =	strace $0x80000048  }
0xb4: {  	_ =	swait.ge [sflag:s29], $0x1  }
0xb5: {  	[sflag:s29] =	ssyncadd.s32 $0xFFFFFFFF  }
0xb6: {  	_ =	strace $0x90000048  }
0xb7: {  	_ =	sfence  }
0xb8: {  	s30 =	sld [smem:$0x0];
	_ =	sdelay $0x2  }
0xb9: {  	s31 =	sshll.u32 s1, $0xD;
	s1 =	sshrl.u32 s1, $0x2  }
0xba: {  	s3 =	sand.u32 $0x4000, s31;
	s1 =	sadd.s32 s1, s30  }
0xbb: {  	s0 =	sor.u32 s3, s0;
	s1 =	sshll.u32 s1, $0x11  }
0xbc: {  	s0 =	sor.u32 s1, s0  }
0xbd: {  	s0 =	sadd.s32 $0x8F2B, s0  }
0xbe: {  	[sflag:s0] =	ssyncadd.remote.s32 $0x1  }
0xbf: {  	_ =	sfence.sel $0xFFFF  }
0xc0: {  	[dreg:$0x0] =	wrdreg $0xFFFFFFFF;
	(pc) =	sbr.abs _section_cstart, $3  }
0xc1: {  	[dreg:$0x1] =	wrdreg $0xFFFFFFFF  }
0xc2: {  	_ =	task.clear_ibuf [dreg:s7], $0x2FFFF;
	_ =	strace $0x9FFFFFFF  }
0xc3: {  	(tm) =	ssettm $0x7FFFFFFF  }
tec
execute0_lowered:
.L_overlay_start_1:
0x0: {  	(tag) =	ssettag $0x1  }
0x1: {  	s5 =	rddreg [dreg:$0x0]  }
0x2: {  	s8 =	rddreg [dreg:$0x1]  }
0x3: {  	s2 =	rddreg [dreg:$0x2]  }
0x4: {  	s0 =	rddreg [dreg:$0x3]  }
0x5: {  	s3 =	simm.s32 $0x0;
	s1 =	stileid.u32;
	s4 =	srdreg.scid  }
0x6: {  	s15 =	simm.s32 $0x1;
	s16 =	simm.s32 $0x7530;
	s17 =	simm.s32 $0x2  }
0x7: {  	s18 =	simm.s32 $0x50;
	s20 =	simm.s32 $0x0;
	[smem:$0x7FF] =	sst s3  }
0x8: {  	s6 =	smul.u32 $0x2720, s1;
	s7 =	sand.u32 $0x1, s4;
	s9 =	sshll.u32 s1, $0x1  }
0x9: {  	s4 =	sadd.s32 $0x12000, s5;
	s19 =	sshll.u32 s1, $0x6;
	_ =	strace $0x80000047  }
0xa: {  	s10 =	smul.u32 $0x27200, s7;
	s9 =	sor.u32 s7, s9;
	s7 =	ssub.s32 $0x2, s7  }
0xb: {  	s11 =	sshrl.u32 s6, $0x3;
	s9 =	smul.u32 $0x4E2, s9;
	s12 =	sshrl.u32 s7, $0x1  }
0xc: {  	s14 =	sadd.s32 s6, s2;
	s10 =	sadd.s32 s6, s10;
	s11 =	sadd.s32 s11, s5  }
0xd: {  	s12 =	ssub.s32 s7, s12;
	s6 =	sor.u32 $0x1C01, s19;
	s19 =	sor.u32 $0x1C02, s19  }
0xe: {  	s10 =	sshrl.u32 s10, $0x3;
	s13 =	sadd.s32 s9, s5;
	s8 =	sadd.s32 s8, s9  }
0xf: {  	s10 =	sadd.s32 s10, s5;
	s5 =	sadd.s32 $0xD000, s11;
	s7 =	sadd.s32 $0x3200, s13  }
0x10: {  	v0 =	vlaneseq.u32;
	s9 =	sadd.s32 $0x1C000, s13;
	s11 =	smax.u32 s12, $0x1;
	s12 =	sshrl.u32 s14, $0x3  }
0x11: {  	v0 =	vor.u32 $0x2710, v0;
	s13 =	simm.s32 $0x2710;
	s14 =	simm.s32 $0x9C40;
	s10 =	sadd.s32 $0x12200, s10  }
.LBB2_1:
0x12: {  	[spmem:s12], [sflag:s6] =	dma.local [hbm:s5], $0x4E4  }
0x13: {  	[tilespmem:s3], [sflag:$0x1] =	stream.linear.gather [hbm4b:s7+s3], $0x2710, $0x38;
	[tilespmem:$0xC860] =	vst v63  }
0x14: {  	_ = 	snop  }
0x15: {  	[tilespmem:s13], [sflag:$0x1] =	stream.linear.gather [hbm4b:s8+s3], $0x2710, $0x38;
	[tilespmem:$0xC860] =	vst v63  }
0x16: {  	_ = 	snop  }
0x17: {  	[tilespmem:s14], [sflag:$0x1] =	stream.linear.gather [hbm4b:s4+s3], $0x500, $0x38;
	[tilespmem:$0xC860] =	vst v63  }
0x18: {  	_ =	swait.ge [sflag:s15], $0x4E4  }
0x19: {  	[sflag:s15] =	ssyncset.done $0x0  }
0x1a: {  	[sflag:s15] =	ssyncadd.s32 $0xFFFFFB1C  }
0x1b: {  	_ =	swait.ge [sflag:s15], $0x2710  }
0x1c: {  	[sflag:s15] =	ssyncset.done $0x0  }
0x1d: {  	[sflag:s15] =	ssyncadd.s32 $0xFFFFD8F0  }
0x1e: {  	_ =	swait.ge [sflag:s15], $0x2710  }
0x1f: {  	[sflag:s15] =	ssyncset.done $0x0  }
0x20: {  	[sflag:s15] =	ssyncadd.s32 $0xFFFFD8F0  }
0x21: {  	_ =	swait.ge [sflag:s15], $0x500  }
0x22: {  	[sflag:s15] =	ssyncset.done $0x0  }
0x23: {  	s22 =	simm.s32 $0x0;
	[sflag:s15] =	ssyncadd.s32 $0xFFFFFB00  }
0x24: {  	v1 =	vld [tilespmem:s22+$0x40]  }
0x25: {  	v2 =	vld [tilespmem:s22+$0x2750]  }
0x26: {  	v8 =	vld [tilespmem:s22+$0x0]  }
0x27: {  	v9 =	vld [tilespmem:s22+$0x2710]  }
0x28: {  	v6 =	vld [tilespmem:s22+$0x10]  }
0x29: {  	v7 =	vld [tilespmem:s22+$0x2720]  }
0x2a: {  	v3 =	vld [tilespmem:s22+$0x20];
	vm0 =	veq.s32 v1, v2  }
0x2b: {  	v4 =	vld [tilespmem:s22+$0x2730];
	v5 =	vsel vm0, v0, v2  }
0x2c: {  	v2 =	vld [tilespmem:s22+$0x30];
	v1 =	vsel vm0, v0, v1;
	vm0 =	veq.s32 v8, v9;
	[tilespmem:s22+$0x7570] =	vst v5  }
0x2d: {  	s21 =	simm.s32 $0x50;
	v5 =	vld [tilespmem:s22+$0x2740];
	[tilespmem:s22+$0x4E60] =	vst v1;
	v10 =	vsel vm0, v0, v8  }
0x2e: {  	s23 =	simm.s32 $0x280;
	v8 =	vsel vm0, v0, v9;
	vm0 =	veq.s32 v6, v7;
	v1 =	vld [tilespmem:s21+$0x40];
	[tilespmem:s22+$0x4E20] =	vst v10  }
.LBB2_2:
0x2f: {  	p0 =	sne.s32 s23, $0x9B00;
	v9 =	vld [tilespmem:s21+$0x2750];
	[tilespmem:s22+$0x7530] =	vst v8;
	v6 =	vsel vm0, v0, v6;
	v7 =	vsel vm0, v0, v7  }
0x30: {  	v8 =	vld [tilespmem:s21+$0x0];
	[tilespmem:s22+$0x4E30] =	vst v6;
	vm0 =	veq.s32 v3, v4  }
0x31: {  	v10 =	vld [tilespmem:s21+$0x2710];
	[tilespmem:s22+$0x7540] =	vst v7;
	v3 =	vsel vm0, v0, v3;
	v4 =	vsel vm0, v0, v4  }
0x32: {  	v6 =	vld [tilespmem:s21+$0x10];
	[tilespmem:s22+$0x4E40] =	vst v3;
	vm0 =	veq.s32 v2, v5  }
0x33: {  	v7 =	vld [tilespmem:s21+$0x2720];
	[tilespmem:s22+$0x7550] =	vst v4;
	v2 =	vsel vm0, v0, v2;
	v5 =	vsel vm0, v0, v5  }
.Ltmp0:
0x34: {  	v3 =	vld [tilespmem:s21+$0x20];
	vm0 =	veq.s32 v1, v9;
	[tilespmem:s22+$0x4E50] =	vst v2;
	(pc) =	sbr.rel @p0 .LBB2_2-.Ltmp0, $4  }
0x35: {  	v4 =	vld [tilespmem:s21+$0x2730];
	v1 =	vsel vm0, v0, v1;
	v9 =	vsel vm0, v0, v9;
	[tilespmem:s22+$0x7560] =	vst v5;
	s22 =	smov.u32 s21  }
0x36: {  	vm0 =	veq.s32 v8, v10;
	v2 =	vld [tilespmem:s22+$0x30];
	[tilespmem:s22+$0x7570] =	vst v9  }
0x37: {  	s21 =	sshra.s32 s23, $0x2;
	v9 =	vsel vm0, v0, v8;
	v8 =	vsel vm0, v0, v10;
	v5 =	vld [tilespmem:s22+$0x2740];
	[tilespmem:s22+$0x4E60] =	vst v1  }
0x38: {  	s23 =	sadd.s32 $0x140, s23;
	v1 =	vld [tilespmem:s21+$0x40];
	[tilespmem:s22+$0x4E20] =	vst v9;
	vm0 =	veq.s32 v6, v7  }
0x39: {  	v9 =	vld [tilespmem:s21+$0x2750];
	[tilespmem:s22+$0x7530] =	vst v8;
	v6 =	vsel vm0, v0, v6  }
0x3a: {  	v59 =	vsel vm0, v0, v7;
	v8 =	vld [tilespmem:s21+$0x0];
	[tilespmem:s22+$0x4E30] =	vst v6;
	vm9 =	veq.s32 v3, v4  }
0x3b: {  	v60 =	vld [tilespmem:s21+$0x2710];
	[tilespmem:s22+$0x7540] =	vst v59;
	v3 =	vsel vm9, v0, v3  }
0x3c: {  	v6 =	vld [tilespmem:s21+$0x10];
	[tilespmem:s22+$0x4E40] =	vst v3;
	v3 =	vsel vm9, v0, v4;
	vm10 =	veq.s32 v2, v5  }
0x3d: {  	v61 =	vld [tilespmem:s21+$0x2720];
	[tilespmem:s22+$0x7550] =	vst v3;
	v2 =	vsel vm10, v0, v2  }
0x3e: {  	v3 =	vld [tilespmem:s21+$0x20];
	[tilespmem:s22+$0x4E50] =	vst v2;
	v2 =	vsel vm10, v0, v5;
	vm11 =	veq.s32 v1, v9  }
0x3f: {  	v62 =	vld [tilespmem:s21+$0x2730];
	[tilespmem:s22+$0x7560] =	vst v2;
	v2 =	vsel vm11, v0, v9  }
0x40: {  	v1 =	vsel vm11, v0, v1;
	v63 =	vld [tilespmem:s21+$0x30];
	[tilespmem:s21+$0x7570] =	vst v2;
	vm12 =	veq.s32 v8, v60  }
0x41: {  	v2 =	vld [tilespmem:s21+$0x2740];
	[tilespmem:s21+$0x4E60] =	vst v1;
	v8 =	vsel vm12, v0, v8  }
0x42: {  	v1 =	vsel vm12, v0, v60;
	[tilespmem:s21+$0x4E20] =	vst v8;
	vm13 =	veq.s32 v6, v61  }
0x43: {  	[tilespmem:s21+$0x7530] =	vst v1;
	v1 =	vsel vm13, v0, v6  }
0x44: {  	v4 =	vsel vm13, v0, v61;
	[tilespmem:s21+$0x4E30] =	vst v1;
	vm14 =	veq.s32 v3, v62  }
0x45: {  	[tilespmem:s21+$0x7540] =	vst v4;
	v1 =	vsel vm14, v0, v3  }
0x46: {  	v3 =	vsel vm14, v0, v62;
	vm15 =	veq.s32 v63, v2;
	[tilespmem:s21+$0x4E40] =	vst v1  }
0x47: {  	[tilespmem:s21+$0x7550] =	vst v3;
	v1 =	vsel vm15, v0, v63  }
0x48: {  	v2 =	vsel vm15, v0, v2;
	[tilespmem:s21+$0x4E50] =	vst v1  }
0x49: {  	s30 =	simm.s32 $0x0;
	[tilespmem:s21+$0x7560] =	vst v2  }
0x4a: {  	[hbm4b:s9+s30] =	stream.linear.scatter [tilespmem:s16], [sflag:$0x2], $0x2710, $0x38;
	[tilespmem:$0xC860] =	vst v63  }
0x4b: {  	_ =	swait.ge [sflag:s17], $0x2710  }
0x4c: {  	[sflag:s17] =	ssyncset.done $0x0  }
0x4d: {  	[sflag:s17] =	ssyncadd.s32 $0xFFFFD8F0  }
0x4e: {  	s31 =	simm.s32 $0x4E20;
	[bflag:$0x0] =	sbarrier.arrive $0xFFFF  }
0x4f: {  	[spmem:s2] =	stream.indirect.scatter.add.f32 [tilespmem:s14], [sflag:$0x2], $0x10, s31, s18, $0xb8;
	[tilespmem:$0xC860] =	vst v63  }
0x50: {  	s21 =	simm.s32 $0x140;
	_ =	swait.ge [sflag:s17], $0x500  }
.LBB2_4:
0x51: {  	s22 =	sshra.s32 s21, $0x2;
	[sflag:s17] =	ssyncset.done $0x0;
	p0 =	sne.s32 s21, $0x9B00  }
.Ltmp1:
0x52: {  	s22 =	sadd.s32 $0x4E20, s22;
	[sflag:s17] =	ssyncadd.s32 $0xFFFFFB00;
	(pc) =	sbr.rel @p0 .LBB2_4-.Ltmp1, $3  }
0x53: {  	[spmem:s2] =	stream.indirect.scatter.add.f32 [tilespmem:s14], [sflag:$0x2], $0x10, s22, s18, $0xb8;
	[tilespmem:$0xC860] =	vst v63  }
0x54: {  	s21 =	sadd.s32 $0x140, s21;
	_ =	sdelay $0x1  }
0x55: {  	_ =	swait.ge [sflag:s17], $0x500  }
0x56: {  	[sflag:s17] =	ssyncset.done $0x0;
	s20 =	sadd.s32 $0x1, s20  }
0x57: {  	[sflag:s17] =	ssyncadd.s32 $0xFFFFFB00;
	p0 =	sne.s32 s20, s11  }
.Ltmp2:
0x58: {  	[bflag:$0x0] =	sbarrier.arrive $0xFFFF;
	(pc) =	sbr.rel @p0 .LBB2_1-.Ltmp2, $4  }
0x59: {  	[hbm:s10], [sflag:s19] =	dma.local [spmem:s12], $0x4E4  }
0x5a: {  	_ =	swait.ge [sflag:s17], $0x4E4  }
0x5b: {  	[sflag:s17] =	ssyncset.done $0x0  }
0x5c: {  	[sflag:s17] =	ssyncadd.s32 $0xFFFFFB1C  }
0x5d: {  	_ =	sfence.sel $0x180000  }
0x5e: {  	[bflag:$0x0] =	sbarrier.arrive $0xFFFF  }
0x5f: {  	p0 =	sne.s32 s1, $0x0;
	_ =	strace $0x90000047  }
0x60: {  	s0 =	sadd.s32 @!p0 $0x100000, s0;
	[bflag:$0x2] =	sbarrier.arrive $0xFFFF  }
0x61: {  	[sflag:s0] =	ssyncadd.tile.s32 @!p0 $0x1;
	_ =	shalt  }
.Lfunc_end2:
_tile_overlayer_lowered:
.L_overlay_start_2:
0x62: {  	(tag) =	ssettag $0x2  }
0x63: {  	s0 =	rddreg [dreg:$0x0];
	s2 =	stileid.u32  }
0x64: {  	s1 =	rddreg [dreg:$0x1];
	p0 =	sne.s32 s2, $0x0  }
0x65: {  	s3 =	rddreg [dreg:$0x2];
	[bflag:$0x3] =	sbarrier.arrive $0xFFFF;
	s2 =	simm.s32 @!p0 $0x1C02  }
0x66: {  	[timem:s3], [sflag:s2] =	dma.local @!p0 [hbm:s0], s1  }
0x67: {  	s0 =	simm.s32 @!p0 $0x2  }
0x68: {  	_ =	swait.ge @!p0 [sflag:s0], s1  }
0x69: {  	s1 =	ssub.s32 @!p0 $0x0, s1;
	[sflag:s0] =	ssyncset.done @!p0 $0x0  }
0x6a: {  	[sflag:s0] =	ssyncadd.s32 @!p0 s1  }
0x6b: {  	[bflag:$0x3] =	sbarrier.arrive $0xFFFF  }
0x6c: {  	_ =	shalt  }

</sc_bundles>
